<compile_context>
chip_gen: v7x
topology: tpu7x:2x2x1
jax: 0.10.2.dev20260603
libtpu: 0.0.44.dev20260713+nightly
codegen_flags: <defaults>
</compile_context>

<pallas_src>
import functools
import math

import jax
import jax.numpy as jnp
from jax import lax
from jax.experimental import pallas as pl
from jax.experimental.pallas import tpu as pltpu
from jax.experimental.pallas import tpu_sc as plsc

N_NODES = 10000
D = 128
EPS = 1e-5
ISQ = 1.0 / math.sqrt(1.0 + EPS)

NC = 2
NS = 16
NW = NC * NS
CHUNK = 128
N_PAD = 10240

ROWS_PER_SUB = N_PAD // NS


def _sc_mesh():
    return plsc.VectorSubcoreMesh(
        core_axis_name="c", subcore_axis_name="s", num_cores=NC, num_subcores=NS
    )


def _make_deg_kernel(chunks_per_tile):
    @functools.partial(
        pl.kernel,
        mesh=_sc_mesh(),
        out_type=jax.ShapeDtypeStruct((NC, N_PAD, D), jnp.float32),
        scratch_types=[
            pltpu.VMEM((chunks_per_tile, CHUNK), jnp.int32),
            pltpu.VMEM((CHUNK, D), jnp.float32),
            pltpu.VMEM_SHARED((N_PAD, D), jnp.float32),
            pltpu.SemaphoreType.DMA,
        ],
    )
    def deg_kernel(dst_hbm, ones_hbm, z16_hbm, out_hbm, dst_v, ones_v, acc, sem):
        cid = lax.axis_index("c")
        sid = lax.axis_index("s")
        wid = sid * NC + cid
        pltpu.sync_copy(
            z16_hbm.at[pl.ds(sid * ROWS_PER_SUB, ROWS_PER_SUB)],
            acc.at[pl.ds(sid * ROWS_PER_SUB, ROWS_PER_SUB)],
        )
        pltpu.sync_copy(ones_hbm, ones_v)
        pltpu.sync_copy(
            dst_hbm.at[pl.ds(wid * chunks_per_tile, chunks_per_tile)], dst_v)
        plsc.subcore_barrier()

        def fire(j, carry):
            pltpu.async_copy(ones_v, acc.at[dst_v.at[j]], sem, add=True)
            return carry

        lax.fori_loop(0, chunks_per_tile, fire, 0)

        def drain(j, carry):
            pltpu.make_async_copy(ones_v, acc.at[dst_v.at[j]], sem).wait()
            return carry

        lax.fori_loop(0, chunks_per_tile, drain, 0)
        plsc.subcore_barrier()
        pltpu.sync_copy(
            acc.at[pl.ds(sid * ROWS_PER_SUB, ROWS_PER_SUB)],
            out_hbm.at[cid, pl.ds(sid * ROWS_PER_SUB, ROWS_PER_SUB)],
        )

    return deg_kernel


AGG_Q = 40


def _make_agg_kernel(n_chunks):
    assert n_chunks % AGG_Q == 0

    @functools.partial(
        pl.kernel,
        mesh=_sc_mesh(),
        out_type=jax.ShapeDtypeStruct((NC, N_PAD, D), jnp.float32),
        scratch_types=[
            pltpu.VMEM((AGG_Q, CHUNK), jnp.int32),
            pltpu.VMEM((AGG_Q, CHUNK), jnp.int32),
            pltpu.VMEM((2 * CHUNK, D), jnp.float32),
            pltpu.VMEM_SHARED((N_PAD, D), jnp.float32),
            pltpu.SemaphoreType.DMA,
            pltpu.SemaphoreType.DMA,
        ],
    )
    def agg_kernel(hs_hbm, src_hbm, dst_hbm, z_hbm, out_hbm,
                   src_v, dst_v, rows_v, acc, gsem, ssem):
        cid = lax.axis_index("c")
        sid = lax.axis_index("s")
        wid = cid * NS + sid
        pltpu.sync_copy(
            z_hbm.at[pl.ds(sid * ROWS_PER_SUB, ROWS_PER_SUB)],
            acc.at[pl.ds(sid * ROWS_PER_SUB, ROWS_PER_SUB)],
        )
        plsc.subcore_barrier()

        q = AGG_Q
        for phase in range(n_chunks // q):
            base = wid * n_chunks + phase * q
            pltpu.sync_copy(src_hbm.at[pl.ds(base, q)], src_v)
            pltpu.sync_copy(dst_hbm.at[pl.ds(base, q)], dst_v)

            pltpu.async_copy(hs_hbm.at[src_v.at[0]],
                             rows_v.at[pl.ds(0, CHUNK)], gsem)
            pltpu.async_copy(hs_hbm.at[src_v.at[1]],
                             rows_v.at[pl.ds(CHUNK, CHUNK)], gsem)

            def body(j, carry):
                b = lax.rem(j, 2) * CHUNK
                bslc = rows_v.at[pl.ds(b, CHUNK)]
                pltpu.make_async_copy(hs_hbm.at[src_v.at[j]], bslc,
                                      gsem).wait()
                sdesc = pltpu.async_copy(bslc, acc.at[dst_v.at[j]], ssem,
                                         add=True)
                sdesc.wait()

                @pl.when(j + 2 < q)
                def _():
                    pltpu.async_copy(hs_hbm.at[src_v.at[j + 2]], bslc, gsem)

                return carry

            lax.fori_loop(0, q, body, 0)

        plsc.subcore_barrier()
        pltpu.sync_copy(
            acc.at[pl.ds(sid * ROWS_PER_SUB, ROWS_PER_SUB)],
            out_hbm.at[cid, pl.ds(sid * ROWS_PER_SUB, ROWS_PER_SUB)],
        )

    return agg_kernel


BR = 1024


def _dis_of(degp_ref):
    return lax.rsqrt(degp_ref[0, :, 0:1] + degp_ref[1, :, 0:1] + 1.0)


def _tc_first_body(x_ref, degp_ref, w_ref, o_ref):
    dis = _dis_of(degp_ref)
    h = jnp.dot(x_ref[...], w_ref[...], preferred_element_type=jnp.float32)
    o_ref[...] = h * dis


def _tc_mid_body(agg_ref, hs_ref, degp_ref, w_ref, b_ref, g_ref, be_ref, o_ref):
    dis = _dis_of(degp_ref)
    conv = (agg_ref[0] + agg_ref[1] + hs_ref[...]) * dis + b_ref[...]
    u = jnp.maximum(conv * (g_ref[...] * ISQ) + be_ref[...], 0.0)
    o_ref[...] = jnp.dot(u, w_ref[...], preferred_element_type=jnp.float32) * dis


def _tc_final_body(agg_ref, hs_ref, degp_ref, b_ref, g_ref, be_ref, o_ref):
    dis = _dis_of(degp_ref)
    conv = (agg_ref[0] + agg_ref[1] + hs_ref[...]) * dis + b_ref[...]
    o_ref[...] = conv * (g_ref[...] * ISQ) + be_ref[...]


_GRID = (N_PAD // BR,)
_SPEC_ROWS = pl.BlockSpec((BR, D), lambda i: (i, 0))
_SPEC_DEGP = pl.BlockSpec((2, BR, D), lambda i: (0, i, 0))
_SPEC_W = pl.BlockSpec((D, D), lambda i: (0, 0))
_SPEC_VEC = pl.BlockSpec((1, D), lambda i: (0, 0))
_OUT_ROWS = jax.ShapeDtypeStruct((N_PAD, D), jnp.float32)


def _tc_first(x_pad, degp, W):
    return pl.pallas_call(
        _tc_first_body,
        grid=_GRID,
        in_specs=[_SPEC_ROWS, _SPEC_DEGP, _SPEC_W],
        out_specs=_SPEC_ROWS,
        out_shape=_OUT_ROWS,
    )(x_pad, degp, W)


def _tc_mid(aggp, hs, degp, W, b, g, be):
    return pl.pallas_call(
        _tc_mid_body,
        grid=_GRID,
        in_specs=[_SPEC_DEGP, _SPEC_ROWS, _SPEC_DEGP, _SPEC_W,
                  _SPEC_VEC, _SPEC_VEC, _SPEC_VEC],
        out_specs=_SPEC_ROWS,
        out_shape=_OUT_ROWS,
    )(aggp, hs, degp, W, b.reshape(1, D), g.reshape(1, D), be.reshape(1, D))


def _tc_final(aggp, hs, degp, b, g, be):
    return pl.pallas_call(
        _tc_final_body,
        grid=_GRID,
        in_specs=[_SPEC_DEGP, _SPEC_ROWS, _SPEC_DEGP,
                  _SPEC_VEC, _SPEC_VEC, _SPEC_VEC],
        out_specs=_SPEC_ROWS,
        out_shape=_OUT_ROWS,
    )(aggp, hs, degp, b.reshape(1, D), g.reshape(1, D), be.reshape(1, D))


def kernel(x, edge_index, W1, b1, g1, be1, W2, b2, g2, be2, W3, b3, g3, be3):
    E = edge_index.shape[1]
    per = NW * CHUNK * 16
    E_pad = ((E + per - 1) // per) * per
    chunks_per_tile = E_pad // (NW * CHUNK)

    src = edge_index[0]
    dst = edge_index[1]
    pad = N_NODES + (jnp.arange(E_pad - E, dtype=jnp.int32) % (N_PAD - N_NODES))
    src2d = jnp.concatenate([src, pad]).reshape(E_pad // 128, 128)
    dst2d = jnp.concatenate([dst, pad]).reshape(E_pad // 128, 128)

    x_pad = jnp.zeros((N_PAD, D), dtype=jnp.float32).at[:N_NODES].set(x)
    zrows = jnp.zeros((N_PAD, D), dtype=jnp.float32)
    ones_rows = jnp.ones((CHUNK, D), dtype=jnp.float32)

    deg_kernel = _make_deg_kernel(chunks_per_tile)
    agg_kernel = _make_agg_kernel(chunks_per_tile)

    degp = deg_kernel(dst2d, ones_rows, zrows)

    hs1 = _tc_first(x_pad, degp, W1)
    agg1 = agg_kernel(hs1, src2d, dst2d, zrows)
    hs2 = _tc_mid(agg1, hs1, degp, W2, b1, g1, be1)
    agg2 = agg_kernel(hs2, src2d, dst2d, zrows)
    hs3 = _tc_mid(agg2, hs2, degp, W3, b2, g2, be2)
    agg3 = agg_kernel(hs3, src2d, dst2d, zrows)
    out = _tc_final(agg3, hs3, degp, b3, g3, be3)
    return out[:N_NODES]

# --- scband reference (transcript-rebuilt; emitter-appended) ---
"""Pipeline reference for scband-gcnencoder-6932077216359 (READ-ONLY COPY).

The authoritative reference and input builder live on the scoring server;
editing this copy changes nothing except your own understanding.
"""

import jax, jax.numpy as jnp
import numpy as np

N = 10000
E = 320000
D_IN = 128
D_HID = 128
D_OUT = 128
EPS = 1e-5


def _glorot(key, fan_in, fan_out):
    limit = np.sqrt(6.0 / (fan_in + fan_out))
    return jax.random.uniform(key, (fan_in, fan_out), dtype=jnp.float32, minval=-limit, maxval=limit)


def setup_inputs(seed: int = 0) -> dict:
    key = jax.random.key(seed)
    ks = jax.random.split(key, 8)
    x = jax.random.normal(ks[0], (N, D_IN), dtype=jnp.float32)
    edge_index = jax.random.randint(ks[1], (2, E), 0, N, dtype=jnp.int32)
    W1 = _glorot(ks[2], D_IN, D_HID)
    b1 = jnp.zeros((D_HID,), dtype=jnp.float32)
    g1 = jnp.ones((D_HID,), dtype=jnp.float32)
    be1 = jnp.zeros((D_HID,), dtype=jnp.float32)
    W2 = _glorot(ks[3], D_HID, D_HID)
    b2 = jnp.zeros((D_HID,), dtype=jnp.float32)
    g2 = jnp.ones((D_HID,), dtype=jnp.float32)
    be2 = jnp.zeros((D_HID,), dtype=jnp.float32)
    W3 = _glorot(ks[4], D_HID, D_OUT)
    b3 = jnp.zeros((D_OUT,), dtype=jnp.float32)
    g3 = jnp.ones((D_OUT,), dtype=jnp.float32)
    be3 = jnp.zeros((D_OUT,), dtype=jnp.float32)
    return {"x": x, "edge_index": edge_index,
            "W1": W1, "b1": b1, "g1": g1, "be1": be1,
            "W2": W2, "b2": b2, "g2": g2, "be2": be2,
            "W3": W3, "b3": b3, "g3": g3, "be3": be3}


def _gcn_conv(x, W, b, src, dst):
    # PyG GCNConv: linear transform, add self-loops, symmetric normalization,
    # scatter-add aggregation (src -> dst), then bias.
    h = x @ W
    loops = jnp.arange(N, dtype=src.dtype)
    srcl = jnp.concatenate([src, loops])
    dstl = jnp.concatenate([dst, loops])
    deg = jax.ops.segment_sum(jnp.ones_like(dstl, dtype=h.dtype), dstl, num_segments=N)
    dis = jnp.where(deg > 0, jax.lax.rsqrt(jnp.maximum(deg, 1e-12)), 0.0)
    norm = dis[srcl] * dis[dstl]
    msg = h[srcl] * norm[:, None]
    out = jax.ops.segment_sum(msg, dstl, num_segments=N)
    return out + b


def _bn_eval(x, g, be):
    # BatchNorm1d in eval mode with freshly-initialized running stats
    # (running_mean=0, running_var=1).
    return x / jnp.sqrt(1.0 + EPS) * g + be


def reference(x, edge_index, W1, b1, g1, be1, W2, b2, g2, be2, W3, b3, g3, be3):
    src = edge_index[0]
    dst = edge_index[1]
    h = _gcn_conv(x, W1, b1, src, dst)
    h = _bn_eval(h, g1, be1)
    h = jax.nn.relu(h)
    # dropout is identity in eval mode
    h = _gcn_conv(h, W2, b2, src, dst)
    h = _bn_eval(h, g2, be2)
    h = jax.nn.relu(h)
    h = _gcn_conv(h, W3, b3, src, dst)
    h = _bn_eval(h, g3, be3)
    return h

if __name__ == "__main__":
    import jax
    _d = setup_inputs()
    print(jax.jit(kernel)(*tuple(_d.values())))

</pallas_src>

<mosaic_0001>
#map = affine_map<(d0, d1) -> (0, 0)>
#map1 = affine_map<(d0, d1) -> (0, 0, 0)>
module attributes {stable_mosaic.version = 14 : i64} {
  func.func @agg_kernel(%arg0: i32, %arg1: i32, %arg2: memref<10240x128xf32, #tpu.memory_space<hbm>>, %arg3: memref<2560x128xi32, #tpu.memory_space<hbm>>, %arg4: memref<2560x128xi32, #tpu.memory_space<hbm>>, %arg5: memref<10240x128xf32, #tpu.memory_space<hbm>>, %arg6: memref<2x10240x128xf32, #tpu.memory_space<hbm>>, %arg7: memref<40x128xi32, #tpu.memory_space<vmem>>, %arg8: memref<40x128xi32, #tpu.memory_space<vmem>>, %arg9: memref<256x128xf32, #tpu.memory_space<vmem>>, %arg10: memref<10240x128xf32, #tpu.memory_space<vmem_shared>>, %arg11: memref<!tpu.dma_semaphore, #tpu.memory_space<semaphore_mem>>, %arg12: memref<!tpu.dma_semaphore, #tpu.memory_space<semaphore_mem>>) attributes {dimension_semantics = [#tpu.dimension_semantics<core_parallel>, #tpu.dimension_semantics<subcore_parallel>], iteration_bounds = array<i64: 2, 16>, scalar_prefetch = 0 : i64, scratch_operands = 6 : i64, tpu.core_type = #tpu.core_type<sc_vector_subcore>, window_params = [{transform_indices = #map}, {transform_indices = #map}, {transform_indices = #map}, {transform_indices = #map}, {transform_indices = #map1}]} {
    %mul3A = arith.constant 16 : i32
    %mul3A_0 = arith.muli %arg0, %mul3A : i32
    %add3A = arith.addi %mul3A_0, %arg1 : i32
    %mul3A_1 = arith.constant 640 : i32
    %mul3A_2 = arith.muli %arg1, %mul3A_1 : i32
    %mul3A_3 = arith.constant 640 : i32
    %mul3A_4 = arith.muli %arg1, %mul3A_3 : i32
    "tpu.region"() ({
      %run_scoped3A = tpu.sem_alloc : memref<!tpu.dma_semaphore, #tpu.memory_space<semaphore_mem>>
      %dma_start3A_68 = arith.constant 0 : i32
      %dma_start3A_69 = tpu.memref_slice %arg10[%mul3A_4, %dma_start3A_68] : memref<10240x128xf32, #tpu.memory_space<vmem_shared>> -> memref<640x128xf32, #tpu.memory_space<vmem_shared>>
      %dma_start3A_70 = arith.constant 0 : i32
      %dma_start3A_71 = tpu.memref_slice %arg5[%mul3A_2, %dma_start3A_70] : memref<10240x128xf32, #tpu.memory_space<hbm>> -> memref<640x128xf32, #tpu.memory_space<hbm>>
      tpu.enqueue_dma source(%dma_start3A_71 : memref<640x128xf32, #tpu.memory_space<hbm>>) target(%dma_start3A_69 : memref<640x128xf32, #tpu.memory_space<vmem_shared>>) target_semaphore(%run_scoped3A : memref<!tpu.dma_semaphore, #tpu.memory_space<semaphore_mem>>)
      %dma_wait3A = arith.constant 0 : i32
      %dma_wait3A_72 = tpu.memref_slice %arg10[%mul3A_4, %dma_wait3A] : memref<10240x128xf32, #tpu.memory_space<vmem_shared>> -> memref<640x128xf32, #tpu.memory_space<vmem_shared>>
      %dma_wait3A_73 = arith.constant 0 : i32
      %dma_wait3A_74 = tpu.memref_slice %arg5[%mul3A_2, %dma_wait3A_73] : memref<10240x128xf32, #tpu.memory_space<hbm>> -> memref<640x128xf32, #tpu.memory_space<hbm>>
      tpu.wait_dma2 semaphore(%run_scoped3A : memref<!tpu.dma_semaphore, #tpu.memory_space<semaphore_mem>>) src(%dma_wait3A_74 : memref<640x128xf32, #tpu.memory_space<hbm>>) dst(%dma_wait3A_72 : memref<640x128xf32, #tpu.memory_space<vmem_shared>>)
      tpu.yield
    }) : () -> ()
    %barrier3A = arith.constant 0 : index
    tpu.barrier barrier_id(%barrier3A)
    %mul3A_5 = arith.constant 80 : i32
    %mul3A_6 = arith.muli %add3A, %mul3A_5 : i32
    %add3A_7 = arith.constant 0 : i32
    %add3A_8 = arith.addi %mul3A_6, %add3A_7 : i32
    "tpu.region"() ({
      %run_scoped3A = tpu.sem_alloc : memref<!tpu.dma_semaphore, #tpu.memory_space<semaphore_mem>>
      %dma_start3A_68 = arith.constant 0 : i32
      %dma_start3A_69 = tpu.memref_slice %arg3[%add3A_8, %dma_start3A_68] : memref<2560x128xi32, #tpu.memory_space<hbm>> -> memref<40x128xi32, #tpu.memory_space<hbm>>
      %dma_start3A_70 = arith.constant 0 : i32
      %dma_start3A_71 = tpu.memref_slice %arg3[%add3A_8, %dma_start3A_70] : memref<2560x128xi32, #tpu.memory_space<hbm>> -> memref<40x128xi32, #tpu.memory_space<hbm>>
      tpu.enqueue_dma source(%dma_start3A_71 : memref<40x128xi32, #tpu.memory_space<hbm>>) target(%arg7 : memref<40x128xi32, #tpu.memory_space<vmem>>) target_semaphore(%run_scoped3A : memref<!tpu.dma_semaphore, #tpu.memory_space<semaphore_mem>>)
      %dma_wait3A = arith.constant 0 : i32
      %dma_wait3A_72 = tpu.memref_slice %arg3[%add3A_8, %dma_wait3A] : memref<2560x128xi32, #tpu.memory_space<hbm>> -> memref<40x128xi32, #tpu.memory_space<hbm>>
      %dma_wait3A_73 = arith.constant 0 : i32
      %dma_wait3A_74 = tpu.memref_slice %arg3[%add3A_8, %dma_wait3A_73] : memref<2560x128xi32, #tpu.memory_space<hbm>> -> memref<40x128xi32, #tpu.memory_space<hbm>>
      tpu.wait_dma2 semaphore(%run_scoped3A : memref<!tpu.dma_semaphore, #tpu.memory_space<semaphore_mem>>) src(%dma_wait3A_74 : memref<40x128xi32, #tpu.memory_space<hbm>>) dst(%arg7 : memref<40x128xi32, #tpu.memory_space<vmem>>)
      tpu.yield
    }) : () -> ()
    "tpu.region"() ({
      %run_scoped3A = tpu.sem_alloc : memref<!tpu.dma_semaphore, #tpu.memory_space<semaphore_mem>>
      %dma_start3A_68 = arith.constant 0 : i32
      %dma_start3A_69 = tpu.memref_slice %arg4[%add3A_8, %dma_start3A_68] : memref<2560x128xi32, #tpu.memory_space<hbm>> -> memref<40x128xi32, #tpu.memory_space<hbm>>
      %dma_start3A_70 = arith.constant 0 : i32
      %dma_start3A_71 = tpu.memref_slice %arg4[%add3A_8, %dma_start3A_70] : memref<2560x128xi32, #tpu.memory_space<hbm>> -> memref<40x128xi32, #tpu.memory_space<hbm>>
      tpu.enqueue_dma source(%dma_start3A_71 : memref<40x128xi32, #tpu.memory_space<hbm>>) target(%arg8 : memref<40x128xi32, #tpu.memory_space<vmem>>) target_semaphore(%run_scoped3A : memref<!tpu.dma_semaphore, #tpu.memory_space<semaphore_mem>>)
      %dma_wait3A = arith.constant 0 : i32
      %dma_wait3A_72 = tpu.memref_slice %arg4[%add3A_8, %dma_wait3A] : memref<2560x128xi32, #tpu.memory_space<hbm>> -> memref<40x128xi32, #tpu.memory_space<hbm>>
      %dma_wait3A_73 = arith.constant 0 : i32
      %dma_wait3A_74 = tpu.memref_slice %arg4[%add3A_8, %dma_wait3A_73] : memref<2560x128xi32, #tpu.memory_space<hbm>> -> memref<40x128xi32, #tpu.memory_space<hbm>>
      tpu.wait_dma2 semaphore(%run_scoped3A : memref<!tpu.dma_semaphore, #tpu.memory_space<semaphore_mem>>) src(%dma_wait3A_74 : memref<40x128xi32, #tpu.memory_space<hbm>>) dst(%arg8 : memref<40x128xi32, #tpu.memory_space<vmem>>)
      tpu.yield
    }) : () -> ()
    %dma_start3A = arith.constant 0 : i32
    %dma_start3A_9 = arith.constant 0 : i32
    %dma_start3A_10 = arith.constant 0 : i32
    %dma_start3A_11 = tpu.memref_slice %arg9[%dma_start3A_9, %dma_start3A_10] : memref<256x128xf32, #tpu.memory_space<vmem>> -> memref<128x128xf32, #tpu.memory_space<vmem>>
    %dma_start3A_12 = arith.constant 0 : i32
    %dma_start3A_13 = tpu.memref_slice %arg7[%dma_start3A, %dma_start3A_12] : memref<40x128xi32, #tpu.memory_space<vmem>> -> memref<1x128xi32, #tpu.memory_space<vmem>>
    %dma_start3A_14 = tpu.memref_squeeze %dma_start3A_13 : memref<1x128xi32, #tpu.memory_space<vmem>> -> memref<128xi32, #tpu.memory_space<vmem>>
    %dma_start3A_15 = arith.constant 0 : i32
    %dma_start3A_16 = arith.constant 0 : i32
    %dma_start3A_17 = tpu.memref_slice %arg2[%dma_start3A_15, %dma_start3A_16] : memref<10240x128xf32, #tpu.memory_space<hbm>> -> memref<10240x128xf32, #tpu.memory_space<hbm>>
    tpu.enqueue_indirect_dma source(%dma_start3A_17 : memref<10240x128xf32, #tpu.memory_space<hbm>>) target(%dma_start3A_11 : memref<128x128xf32, #tpu.memory_space<vmem>>) offsets(%dma_start3A_14 : memref<128xi32, #tpu.memory_space<vmem>>) semaphore(%arg11 : memref<!tpu.dma_semaphore, #tpu.memory_space<semaphore_mem>>)
    %dma_start3A_18 = arith.constant 1 : i32
    %dma_start3A_19 = arith.constant 128 : i32
    %dma_start3A_20 = arith.constant 0 : i32
    %dma_start3A_21 = tpu.memref_slice %arg9[%dma_start3A_19, %dma_start3A_20] : memref<256x128xf32, #tpu.memory_space<vmem>> -> memref<128x128xf32, #tpu.memory_space<vmem>>
    %dma_start3A_22 = arith.constant 0 : i32
    %dma_start3A_23 = tpu.memref_slice %arg7[%dma_start3A_18, %dma_start3A_22] : memref<40x128xi32, #tpu.memory_space<vmem>> -> memref<1x128xi32, #tpu.memory_space<vmem>>
    %dma_start3A_24 = tpu.memref_squeeze %dma_start3A_23 : memref<1x128xi32, #tpu.memory_space<vmem>> -> memref<128xi32, #tpu.memory_space<vmem>>
    %dma_start3A_25 = arith.constant 0 : i32
    %dma_start3A_26 = arith.constant 0 : i32
    %dma_start3A_27 = tpu.memref_slice %arg2[%dma_start3A_25, %dma_start3A_26] : memref<10240x128xf32, #tpu.memory_space<hbm>> -> memref<10240x128xf32, #tpu.memory_space<hbm>>
    tpu.enqueue_indirect_dma source(%dma_start3A_27 : memref<10240x128xf32, #tpu.memory_space<hbm>>) target(%dma_start3A_21 : memref<128x128xf32, #tpu.memory_space<vmem>>) offsets(%dma_start3A_24 : memref<128xi32, #tpu.memory_space<vmem>>) semaphore(%arg11 : memref<!tpu.dma_semaphore, #tpu.memory_space<semaphore_mem>>)
    %scan3A = arith.constant 0 : i32
    %scan3A_28 = arith.constant 0 : i32
    %scan3A_29 = arith.constant 40 : i32
    %scan3A_30 = arith.addi %scan3A_28, %scan3A_29 : i32
    %scan3A_31 = arith.constant 1 : i32
    scf.for %scan3A_68 = %scan3A_28 to %scan3A_30 step %scan3A_31  : i32 {
      %rem3A = arith.constant 2 : i32
      %rem3A_69 = arith.remsi %scan3A_68, %rem3A : i32
      %mul3A_70 = arith.constant 128 : i32
      %mul3A_71 = arith.muli %rem3A_69, %mul3A_70 : i32
      %dma_wait3A = arith.constant 0 : i32
      %dma_wait3A_72 = tpu.memref_slice %arg9[%mul3A_71, %dma_wait3A] : memref<256x128xf32, #tpu.memory_space<vmem>> -> memref<128x128xf32, #tpu.memory_space<vmem>>
      %dma_wait3A_73 = arith.constant 0 : i32
      %dma_wait3A_74 = tpu.memref_slice %arg7[%scan3A_68, %dma_wait3A_73] : memref<40x128xi32, #tpu.memory_space<vmem>> -> memref<1x128xi32, #tpu.memory_space<vmem>>
      %dma_wait3A_75 = tpu.memref_squeeze %dma_wait3A_74 : memref<1x128xi32, #tpu.memory_space<vmem>> -> memref<128xi32, #tpu.memory_space<vmem>>
      %dma_wait3A_76 = arith.constant 0 : i32
      %dma_wait3A_77 = arith.constant 0 : i32
      %dma_wait3A_78 = tpu.memref_slice %arg2[%dma_wait3A_76, %dma_wait3A_77] : memref<10240x128xf32, #tpu.memory_space<hbm>> -> memref<10240x128xf32, #tpu.memory_space<hbm>>
      tpu.wait_indirect_dma semaphore(%arg11 : memref<!tpu.dma_semaphore, #tpu.memory_space<semaphore_mem>>) src(%dma_wait3A_78 : memref<10240x128xf32, #tpu.memory_space<hbm>>) dst(%dma_wait3A_72 : memref<128x128xf32, #tpu.memory_space<vmem>>)
      %dma_start3A_79 = arith.constant 0 : i32
      %dma_start3A_80 = tpu.memref_slice %arg9[%mul3A_71, %dma_start3A_79] : memref<256x128xf32, #tpu.memory_space<vmem>> -> memref<128x128xf32, #tpu.memory_space<vmem>>
      %dma_start3A_81 = arith.constant 0 : i32
      %dma_start3A_82 = tpu.memref_slice %arg8[%scan3A_68, %dma_start3A_81] : memref<40x128xi32, #tpu.memory_space<vmem>> -> memref<1x128xi32, #tpu.memory_space<vmem>>
      %dma_start3A_83 = tpu.memref_squeeze %dma_start3A_82 : memref<1x128xi32, #tpu.memory_space<vmem>> -> memref<128xi32, #tpu.memory_space<vmem>>
      %dma_start3A_84 = arith.constant 0 : i32
      %dma_start3A_85 = arith.constant 0 : i32
      %dma_start3A_86 = tpu.memref_slice %arg10[%dma_start3A_84, %dma_start3A_85] : memref<10240x128xf32, #tpu.memory_space<vmem_shared>> -> memref<10240x128xf32, #tpu.memory_space<vmem_shared>>
      tpu.enqueue_indirect_dma source(%dma_start3A_80 : memref<128x128xf32, #tpu.memory_space<vmem>>) target(%dma_start3A_86 : memref<10240x128xf32, #tpu.memory_space<vmem_shared>>) offsets(%dma_start3A_83 : memref<128xi32, #tpu.memory_space<vmem>>) semaphore(%arg12 : memref<!tpu.dma_semaphore, #tpu.memory_space<semaphore_mem>>) {add = true}
      %dma_wait3A_87 = arith.constant 0 : i32
      %dma_wait3A_88 = tpu.memref_slice %arg9[%mul3A_71, %dma_wait3A_87] : memref<256x128xf32, #tpu.memory_space<vmem>> -> memref<128x128xf32, #tpu.memory_space<vmem>>
      %dma_wait3A_89 = arith.constant 0 : i32
      %dma_wait3A_90 = tpu.memref_slice %arg8[%scan3A_68, %dma_wait3A_89] : memref<40x128xi32, #tpu.memory_space<vmem>> -> memref<1x128xi32, #tpu.memory_space<vmem>>
      %dma_wait3A_91 = tpu.memref_squeeze %dma_wait3A_90 : memref<1x128xi32, #tpu.memory_space<vmem>> -> memref<128xi32, #tpu.memory_space<vmem>>
      %dma_wait3A_92 = arith.constant 0 : i32
      %dma_wait3A_93 = arith.constant 0 : i32
      %dma_wait3A_94 = tpu.memref_slice %arg10[%dma_wait3A_92, %dma_wait3A_93] : memref<10240x128xf32, #tpu.memory_space<vmem_shared>> -> memref<10240x128xf32, #tpu.memory_space<vmem_shared>>
      tpu.wait_indirect_dma semaphore(%arg12 : memref<!tpu.dma_semaphore, #tpu.memory_space<semaphore_mem>>) src(%dma_wait3A_88 : memref<128x128xf32, #tpu.memory_space<vmem>>) dst(%dma_wait3A_94 : memref<10240x128xf32, #tpu.memory_space<vmem_shared>>)
      %add3A_95 = arith.constant 2 : i32
      %add3A_96 = arith.addi %scan3A_68, %add3A_95 : i32
      %lt3A = arith.constant 40 : i32
      %lt3A_97 = arith.cmpi slt, %add3A_96, %lt3A : i32
      %convert_element_type3A = arith.extui %lt3A_97 : i1 to i32
      %cond3A = arith.constant 0 : i32
      %cond3A_98 = arith.cmpi ne, %convert_element_type3A, %cond3A : i32
      scf.if %cond3A_98 {
        %add3A_99 = arith.constant 2 : i32
        %add3A_100 = arith.addi %scan3A_68, %add3A_99 : i32
        %dma_start3A_101 = arith.constant 0 : i32
        %dma_start3A_102 = tpu.memref_slice %arg9[%mul3A_71, %dma_start3A_101] : memref<256x128xf32, #tpu.memory_space<vmem>> -> memref<128x128xf32, #tpu.memory_space<vmem>>
        %dma_start3A_103 = arith.constant 0 : i32
        %dma_start3A_104 = tpu.memref_slice %arg7[%add3A_100, %dma_start3A_103] : memref<40x128xi32, #tpu.memory_space<vmem>> -> memref<1x128xi32, #tpu.memory_space<vmem>>
        %dma_start3A_105 = tpu.memref_squeeze %dma_start3A_104 : memref<1x128xi32, #tpu.memory_space<vmem>> -> memref<128xi32, #tpu.memory_space<vmem>>
        %dma_start3A_106 = arith.constant 0 : i32
        %dma_start3A_107 = arith.constant 0 : i32
        %dma_start3A_108 = tpu.memref_slice %arg2[%dma_start3A_106, %dma_start3A_107] : memref<10240x128xf32, #tpu.memory_space<hbm>> -> memref<10240x128xf32, #tpu.memory_space<hbm>>
        tpu.enqueue_indirect_dma source(%dma_start3A_108 : memref<10240x128xf32, #tpu.memory_space<hbm>>) target(%dma_start3A_102 : memref<128x128xf32, #tpu.memory_space<vmem>>) offsets(%dma_start3A_105 : memref<128xi32, #tpu.memory_space<vmem>>) semaphore(%arg11 : memref<!tpu.dma_semaphore, #tpu.memory_space<semaphore_mem>>)
      } else {
      }
    }
    %scan3A_32 = arith.constant 40 : i32
    %mul3A_33 = arith.constant 80 : i32
    %mul3A_34 = arith.muli %add3A, %mul3A_33 : i32
    %add3A_35 = arith.constant 40 : i32
    %add3A_36 = arith.addi %mul3A_34, %add3A_35 : i32
    "tpu.region"() ({
      %run_scoped3A = tpu.sem_alloc : memref<!tpu.dma_semaphore, #tpu.memory_space<semaphore_mem>>
      %dma_start3A_68 = arith.constant 0 : i32
      %dma_start3A_69 = tpu.memref_slice %arg3[%add3A_36, %dma_start3A_68] : memref<2560x128xi32, #tpu.memory_space<hbm>> -> memref<40x128xi32, #tpu.memory_space<hbm>>
      %dma_start3A_70 = arith.constant 0 : i32
      %dma_start3A_71 = tpu.memref_slice %arg3[%add3A_36, %dma_start3A_70] : memref<2560x128xi32, #tpu.memory_space<hbm>> -> memref<40x128xi32, #tpu.memory_space<hbm>>
      tpu.enqueue_dma source(%dma_start3A_71 : memref<40x128xi32, #tpu.memory_space<hbm>>) target(%arg7 : memref<40x128xi32, #tpu.memory_space<vmem>>) target_semaphore(%run_scoped3A : memref<!tpu.dma_semaphore, #tpu.memory_space<semaphore_mem>>)
      %dma_wait3A = arith.constant 0 : i32
      %dma_wait3A_72 = tpu.memref_slice %arg3[%add3A_36, %dma_wait3A] : memref<2560x128xi32, #tpu.memory_space<hbm>> -> memref<40x128xi32, #tpu.memory_space<hbm>>
      %dma_wait3A_73 = arith.constant 0 : i32
      %dma_wait3A_74 = tpu.memref_slice %arg3[%add3A_36, %dma_wait3A_73] : memref<2560x128xi32, #tpu.memory_space<hbm>> -> memref<40x128xi32, #tpu.memory_space<hbm>>
      tpu.wait_dma2 semaphore(%run_scoped3A : memref<!tpu.dma_semaphore, #tpu.memory_space<semaphore_mem>>) src(%dma_wait3A_74 : memref<40x128xi32, #tpu.memory_space<hbm>>) dst(%arg7 : memref<40x128xi32, #tpu.memory_space<vmem>>)
      tpu.yield
    }) : () -> ()
    "tpu.region"() ({
      %run_scoped3A = tpu.sem_alloc : memref<!tpu.dma_semaphore, #tpu.memory_space<semaphore_mem>>
      %dma_start3A_68 = arith.constant 0 : i32
      %dma_start3A_69 = tpu.memref_slice %arg4[%add3A_36, %dma_start3A_68] : memref<2560x128xi32, #tpu.memory_space<hbm>> -> memref<40x128xi32, #tpu.memory_space<hbm>>
      %dma_start3A_70 = arith.constant 0 : i32
      %dma_start3A_71 = tpu.memref_slice %arg4[%add3A_36, %dma_start3A_70] : memref<2560x128xi32, #tpu.memory_space<hbm>> -> memref<40x128xi32, #tpu.memory_space<hbm>>
      tpu.enqueue_dma source(%dma_start3A_71 : memref<40x128xi32, #tpu.memory_space<hbm>>) target(%arg8 : memref<40x128xi32, #tpu.memory_space<vmem>>) target_semaphore(%run_scoped3A : memref<!tpu.dma_semaphore, #tpu.memory_space<semaphore_mem>>)
      %dma_wait3A = arith.constant 0 : i32
      %dma_wait3A_72 = tpu.memref_slice %arg4[%add3A_36, %dma_wait3A] : memref<2560x128xi32, #tpu.memory_space<hbm>> -> memref<40x128xi32, #tpu.memory_space<hbm>>
      %dma_wait3A_73 = arith.constant 0 : i32
      %dma_wait3A_74 = tpu.memref_slice %arg4[%add3A_36, %dma_wait3A_73] : memref<2560x128xi32, #tpu.memory_space<hbm>> -> memref<40x128xi32, #tpu.memory_space<hbm>>
      tpu.wait_dma2 semaphore(%run_scoped3A : memref<!tpu.dma_semaphore, #tpu.memory_space<semaphore_mem>>) src(%dma_wait3A_74 : memref<40x128xi32, #tpu.memory_space<hbm>>) dst(%arg8 : memref<40x128xi32, #tpu.memory_space<vmem>>)
      tpu.yield
    }) : () -> ()
    %dma_start3A_37 = arith.constant 0 : i32
    %dma_start3A_38 = arith.constant 0 : i32
    %dma_start3A_39 = arith.constant 0 : i32
    %dma_start3A_40 = tpu.memref_slice %arg9[%dma_start3A_38, %dma_start3A_39] : memref<256x128xf32, #tpu.memory_space<vmem>> -> memref<128x128xf32, #tpu.memory_space<vmem>>
    %dma_start3A_41 = arith.constant 0 : i32
    %dma_start3A_42 = tpu.memref_slice %arg7[%dma_start3A_37, %dma_start3A_41] : memref<40x128xi32, #tpu.memory_space<vmem>> -> memref<1x128xi32, #tpu.memory_space<vmem>>
    %dma_start3A_43 = tpu.memref_squeeze %dma_start3A_42 : memref<1x128xi32, #tpu.memory_space<vmem>> -> memref<128xi32, #tpu.memory_space<vmem>>
    %dma_start3A_44 = arith.constant 0 : i32
    %dma_start3A_45 = arith.constant 0 : i32
    %dma_start3A_46 = tpu.memref_slice %arg2[%dma_start3A_44, %dma_start3A_45] : memref<10240x128xf32, #tpu.memory_space<hbm>> -> memref<10240x128xf32, #tpu.memory_space<hbm>>
    tpu.enqueue_indirect_dma source(%dma_start3A_46 : memref<10240x128xf32, #tpu.memory_space<hbm>>) target(%dma_start3A_40 : memref<128x128xf32, #tpu.memory_space<vmem>>) offsets(%dma_start3A_43 : memref<128xi32, #tpu.memory_space<vmem>>) semaphore(%arg11 : memref<!tpu.dma_semaphore, #tpu.memory_space<semaphore_mem>>)
    %dma_start3A_47 = arith.constant 1 : i32
    %dma_start3A_48 = arith.constant 128 : i32
    %dma_start3A_49 = arith.constant 0 : i32
    %dma_start3A_50 = tpu.memref_slice %arg9[%dma_start3A_48, %dma_start3A_49] : memref<256x128xf32, #tpu.memory_space<vmem>> -> memref<128x128xf32, #tpu.memory_space<vmem>>
    %dma_start3A_51 = arith.constant 0 : i32
    %dma_start3A_52 = tpu.memref_slice %arg7[%dma_start3A_47, %dma_start3A_51] : memref<40x128xi32, #tpu.memory_space<vmem>> -> memref<1x128xi32, #tpu.memory_space<vmem>>
    %dma_start3A_53 = tpu.memref_squeeze %dma_start3A_52 : memref<1x128xi32, #tpu.memory_space<vmem>> -> memref<128xi32, #tpu.memory_space<vmem>>
    %dma_start3A_54 = arith.constant 0 : i32
    %dma_start3A_55 = arith.constant 0 : i32
    %dma_start3A_56 = tpu.memref_slice %arg2[%dma_start3A_54, %dma_start3A_55] : memref<10240x128xf32, #tpu.memory_space<hbm>> -> memref<10240x128xf32, #tpu.memory_space<hbm>>
    tpu.enqueue_indirect_dma source(%dma_start3A_56 : memref<10240x128xf32, #tpu.memory_space<hbm>>) target(%dma_start3A_50 : memref<128x128xf32, #tpu.memory_space<vmem>>) offsets(%dma_start3A_53 : memref<128xi32, #tpu.memory_space<vmem>>) semaphore(%arg11 : memref<!tpu.dma_semaphore, #tpu.memory_space<semaphore_mem>>)
    %scan3A_57 = arith.constant 0 : i32
    %scan3A_58 = arith.constant 0 : i32
    %scan3A_59 = arith.constant 40 : i32
    %scan3A_60 = arith.addi %scan3A_58, %scan3A_59 : i32
    %scan3A_61 = arith.constant 1 : i32
    scf.for %scan3A_68 = %scan3A_58 to %scan3A_60 step %scan3A_61  : i32 {
      %rem3A = arith.constant 2 : i32
      %rem3A_69 = arith.remsi %scan3A_68, %rem3A : i32
      %mul3A_70 = arith.constant 128 : i32
      %mul3A_71 = arith.muli %rem3A_69, %mul3A_70 : i32
      %dma_wait3A = arith.constant 0 : i32
      %dma_wait3A_72 = tpu.memref_slice %arg9[%mul3A_71, %dma_wait3A] : memref<256x128xf32, #tpu.memory_space<vmem>> -> memref<128x128xf32, #tpu.memory_space<vmem>>
      %dma_wait3A_73 = arith.constant 0 : i32
      %dma_wait3A_74 = tpu.memref_slice %arg7[%scan3A_68, %dma_wait3A_73] : memref<40x128xi32, #tpu.memory_space<vmem>> -> memref<1x128xi32, #tpu.memory_space<vmem>>
      %dma_wait3A_75 = tpu.memref_squeeze %dma_wait3A_74 : memref<1x128xi32, #tpu.memory_space<vmem>> -> memref<128xi32, #tpu.memory_space<vmem>>
      %dma_wait3A_76 = arith.constant 0 : i32
      %dma_wait3A_77 = arith.constant 0 : i32
      %dma_wait3A_78 = tpu.memref_slice %arg2[%dma_wait3A_76, %dma_wait3A_77] : memref<10240x128xf32, #tpu.memory_space<hbm>> -> memref<10240x128xf32, #tpu.memory_space<hbm>>
      tpu.wait_indirect_dma semaphore(%arg11 : memref<!tpu.dma_semaphore, #tpu.memory_space<semaphore_mem>>) src(%dma_wait3A_78 : memref<10240x128xf32, #tpu.memory_space<hbm>>) dst(%dma_wait3A_72 : memref<128x128xf32, #tpu.memory_space<vmem>>)
      %dma_start3A_79 = arith.constant 0 : i32
      %dma_start3A_80 = tpu.memref_slice %arg9[%mul3A_71, %dma_start3A_79] : memref<256x128xf32, #tpu.memory_space<vmem>> -> memref<128x128xf32, #tpu.memory_space<vmem>>
      %dma_start3A_81 = arith.constant 0 : i32
      %dma_start3A_82 = tpu.memref_slice %arg8[%scan3A_68, %dma_start3A_81] : memref<40x128xi32, #tpu.memory_space<vmem>> -> memref<1x128xi32, #tpu.memory_space<vmem>>
      %dma_start3A_83 = tpu.memref_squeeze %dma_start3A_82 : memref<1x128xi32, #tpu.memory_space<vmem>> -> memref<128xi32, #tpu.memory_space<vmem>>
      %dma_start3A_84 = arith.constant 0 : i32
      %dma_start3A_85 = arith.constant 0 : i32
      %dma_start3A_86 = tpu.memref_slice %arg10[%dma_start3A_84, %dma_start3A_85] : memref<10240x128xf32, #tpu.memory_space<vmem_shared>> -> memref<10240x128xf32, #tpu.memory_space<vmem_shared>>
      tpu.enqueue_indirect_dma source(%dma_start3A_80 : memref<128x128xf32, #tpu.memory_space<vmem>>) target(%dma_start3A_86 : memref<10240x128xf32, #tpu.memory_space<vmem_shared>>) offsets(%dma_start3A_83 : memref<128xi32, #tpu.memory_space<vmem>>) semaphore(%arg12 : memref<!tpu.dma_semaphore, #tpu.memory_space<semaphore_mem>>) {add = true}
      %dma_wait3A_87 = arith.constant 0 : i32
      %dma_wait3A_88 = tpu.memref_slice %arg9[%mul3A_71, %dma_wait3A_87] : memref<256x128xf32, #tpu.memory_space<vmem>> -> memref<128x128xf32, #tpu.memory_space<vmem>>
      %dma_wait3A_89 = arith.constant 0 : i32
      %dma_wait3A_90 = tpu.memref_slice %arg8[%scan3A_68, %dma_wait3A_89] : memref<40x128xi32, #tpu.memory_space<vmem>> -> memref<1x128xi32, #tpu.memory_space<vmem>>
      %dma_wait3A_91 = tpu.memref_squeeze %dma_wait3A_90 : memref<1x128xi32, #tpu.memory_space<vmem>> -> memref<128xi32, #tpu.memory_space<vmem>>
      %dma_wait3A_92 = arith.constant 0 : i32
      %dma_wait3A_93 = arith.constant 0 : i32
      %dma_wait3A_94 = tpu.memref_slice %arg10[%dma_wait3A_92, %dma_wait3A_93] : memref<10240x128xf32, #tpu.memory_space<vmem_shared>> -> memref<10240x128xf32, #tpu.memory_space<vmem_shared>>
      tpu.wait_indirect_dma semaphore(%arg12 : memref<!tpu.dma_semaphore, #tpu.memory_space<semaphore_mem>>) src(%dma_wait3A_88 : memref<128x128xf32, #tpu.memory_space<vmem>>) dst(%dma_wait3A_94 : memref<10240x128xf32, #tpu.memory_space<vmem_shared>>)
      %add3A_95 = arith.constant 2 : i32
      %add3A_96 = arith.addi %scan3A_68, %add3A_95 : i32
      %lt3A = arith.constant 40 : i32
      %lt3A_97 = arith.cmpi slt, %add3A_96, %lt3A : i32
      %convert_element_type3A = arith.extui %lt3A_97 : i1 to i32
      %cond3A = arith.constant 0 : i32
      %cond3A_98 = arith.cmpi ne, %convert_element_type3A, %cond3A : i32
      scf.if %cond3A_98 {
        %add3A_99 = arith.constant 2 : i32
        %add3A_100 = arith.addi %scan3A_68, %add3A_99 : i32
        %dma_start3A_101 = arith.constant 0 : i32
        %dma_start3A_102 = tpu.memref_slice %arg9[%mul3A_71, %dma_start3A_101] : memref<256x128xf32, #tpu.memory_space<vmem>> -> memref<128x128xf32, #tpu.memory_space<vmem>>
        %dma_start3A_103 = arith.constant 0 : i32
        %dma_start3A_104 = tpu.memref_slice %arg7[%add3A_100, %dma_start3A_103] : memref<40x128xi32, #tpu.memory_space<vmem>> -> memref<1x128xi32, #tpu.memory_space<vmem>>
        %dma_start3A_105 = tpu.memref_squeeze %dma_start3A_104 : memref<1x128xi32, #tpu.memory_space<vmem>> -> memref<128xi32, #tpu.memory_space<vmem>>
        %dma_start3A_106 = arith.constant 0 : i32
        %dma_start3A_107 = arith.constant 0 : i32
        %dma_start3A_108 = tpu.memref_slice %arg2[%dma_start3A_106, %dma_start3A_107] : memref<10240x128xf32, #tpu.memory_space<hbm>> -> memref<10240x128xf32, #tpu.memory_space<hbm>>
        tpu.enqueue_indirect_dma source(%dma_start3A_108 : memref<10240x128xf32, #tpu.memory_space<hbm>>) target(%dma_start3A_102 : memref<128x128xf32, #tpu.memory_space<vmem>>) offsets(%dma_start3A_105 : memref<128xi32, #tpu.memory_space<vmem>>) semaphore(%arg11 : memref<!tpu.dma_semaphore, #tpu.memory_space<semaphore_mem>>)
      } else {
      }
    }
    %scan3A_62 = arith.constant 40 : i32
    %barrier3A_63 = arith.constant 0 : index
    tpu.barrier barrier_id(%barrier3A_63)
    %mul3A_64 = arith.constant 640 : i32
    %mul3A_65 = arith.muli %arg1, %mul3A_64 : i32
    %mul3A_66 = arith.constant 640 : i32
    %mul3A_67 = arith.muli %arg1, %mul3A_66 : i32
    "tpu.region"() ({
      %run_scoped3A = tpu.sem_alloc : memref<!tpu.dma_semaphore, #tpu.memory_space<semaphore_mem>>
      %dma_start3A_68 = arith.constant 0 : i32
      %dma_start3A_69 = tpu.memref_slice %arg6[%arg0, %mul3A_67, %dma_start3A_68] : memref<2x10240x128xf32, #tpu.memory_space<hbm>> -> memref<1x640x128xf32, #tpu.memory_space<hbm>>
      %dma_start3A_70 = tpu.memref_squeeze %dma_start3A_69 : memref<1x640x128xf32, #tpu.memory_space<hbm>> -> memref<640x128xf32, #tpu.memory_space<hbm>>
      %dma_start3A_71 = arith.constant 0 : i32
      %dma_start3A_72 = tpu.memref_slice %arg10[%mul3A_65, %dma_start3A_71] : memref<10240x128xf32, #tpu.memory_space<vmem_shared>> -> memref<640x128xf32, #tpu.memory_space<vmem_shared>>
      tpu.enqueue_dma source(%dma_start3A_72 : memref<640x128xf32, #tpu.memory_space<vmem_shared>>) target(%dma_start3A_70 : memref<640x128xf32, #tpu.memory_space<hbm>>) target_semaphore(%run_scoped3A : memref<!tpu.dma_semaphore, #tpu.memory_space<semaphore_mem>>)
      %dma_wait3A = arith.constant 0 : i32
      %dma_wait3A_73 = tpu.memref_slice %arg6[%arg0, %mul3A_67, %dma_wait3A] : memref<2x10240x128xf32, #tpu.memory_space<hbm>> -> memref<1x640x128xf32, #tpu.memory_space<hbm>>
      %dma_wait3A_74 = tpu.memref_squeeze %dma_wait3A_73 : memref<1x640x128xf32, #tpu.memory_space<hbm>> -> memref<640x128xf32, #tpu.memory_space<hbm>>
      %dma_wait3A_75 = arith.constant 0 : i32
      %dma_wait3A_76 = tpu.memref_slice %arg10[%mul3A_65, %dma_wait3A_75] : memref<10240x128xf32, #tpu.memory_space<vmem_shared>> -> memref<640x128xf32, #tpu.memory_space<vmem_shared>>
      tpu.wait_dma2 semaphore(%run_scoped3A : memref<!tpu.dma_semaphore, #tpu.memory_space<semaphore_mem>>) src(%dma_wait3A_76 : memref<640x128xf32, #tpu.memory_space<vmem_shared>>) dst(%dma_wait3A_74 : memref<640x128xf32, #tpu.memory_space<hbm>>)
      tpu.yield
    }) : () -> ()
    return
  }
}

#map = affine_map<(d0, d1) -> (0, 0)>
#map1 = affine_map<(d0, d1) -> (0, 0, 0)>
module attributes {stable_mosaic.version = 14 : i64} {
  func.func @agg_kernel(%arg0: i32, %arg1: i32, %arg2: memref<10240x128xf32, #tpu.memory_space<hbm>>, %arg3: memref<2560x128xi32, #tpu.memory_space<hbm>>, %arg4: memref<2560x128xi32, #tpu.memory_space<hbm>>, %arg5: memref<10240x128xf32, #tpu.memory_space<hbm>>, %arg6: memref<2x10240x128xf32, #tpu.memory_space<hbm>>, %arg7: memref<40x128xi32, #tpu.memory_space<vmem>>, %arg8: memref<40x128xi32, #tpu.memory_space<vmem>>, %arg9: memref<256x128xf32, #tpu.memory_space<vmem>>, %arg10: memref<10240x128xf32, #tpu.memory_space<vmem_shared>>, %arg11: memref<!tpu.dma_semaphore, #tpu.memory_space<semaphore_mem>>, %arg12: memref<!tpu.dma_semaphore, #tpu.memory_space<semaphore_mem>>) attributes {dimension_semantics = [#tpu.dimension_semantics<core_parallel>, #tpu.dimension_semantics<subcore_parallel>], iteration_bounds = array<i64: 2, 16>, scalar_prefetch = 0 : i64, scratch_operands = 6 : i64, tpu.core_type = #tpu.core_type<sc_vector_subcore>, window_params = [{transform_indices = #map}, {transform_indices = #map}, {transform_indices = #map}, {transform_indices = #map}, {transform_indices = #map1}]} {
    %mul3A = arith.constant 16 : i32
    %mul3A_0 = arith.muli %arg0, %mul3A : i32
    %add3A = arith.addi %mul3A_0, %arg1 : i32
    %mul3A_1 = arith.constant 640 : i32
    %mul3A_2 = arith.muli %arg1, %mul3A_1 : i32
    %mul3A_3 = arith.constant 640 : i32
    %mul3A_4 = arith.muli %arg1, %mul3A_3 : i32
    "tpu.region"() ({
      %run_scoped3A = tpu.sem_alloc : memref<!tpu.dma_semaphore, #tpu.memory_space<semaphore_mem>>
      %dma_start3A_68 = arith.constant 0 : i32
      %dma_start3A_69 = tpu.memref_slice %arg10[%mul3A_4, %dma_start3A_68] : memref<10240x128xf32, #tpu.memory_space<vmem_shared>> -> memref<640x128xf32, #tpu.memory_space<vmem_shared>>
      %dma_start3A_70 = arith.constant 0 : i32
      %dma_start3A_71 = tpu.memref_slice %arg5[%mul3A_2, %dma_start3A_70] : memref<10240x128xf32, #tpu.memory_space<hbm>> -> memref<640x128xf32, #tpu.memory_space<hbm>>
      tpu.enqueue_dma source(%dma_start3A_71 : memref<640x128xf32, #tpu.memory_space<hbm>>) target(%dma_start3A_69 : memref<640x128xf32, #tpu.memory_space<vmem_shared>>) target_semaphore(%run_scoped3A : memref<!tpu.dma_semaphore, #tpu.memory_space<semaphore_mem>>)
      %dma_wait3A = arith.constant 0 : i32
      %dma_wait3A_72 = tpu.memref_slice %arg10[%mul3A_4, %dma_wait3A] : memref<10240x128xf32, #tpu.memory_space<vmem_shared>> -> memref<640x128xf32, #tpu.memory_space<vmem_shared>>
      %dma_wait3A_73 = arith.constant 0 : i32
      %dma_wait3A_74 = tpu.memref_slice %arg5[%mul3A_2, %dma_wait3A_73] : memref<10240x128xf32, #tpu.memory_space<hbm>> -> memref<640x128xf32, #tpu.memory_space<hbm>>
      tpu.wait_dma2 semaphore(%run_scoped3A : memref<!tpu.dma_semaphore, #tpu.memory_space<semaphore_mem>>) src(%dma_wait3A_74 : memref<640x128xf32, #tpu.memory_space<hbm>>) dst(%dma_wait3A_72 : memref<640x128xf32, #tpu.memory_space<vmem_shared>>)
      tpu.yield
    }) : () -> ()
    %barrier3A = arith.constant 0 : index
    tpu.barrier barrier_id(%barrier3A)
    %mul3A_5 = arith.constant 80 : i32
    %mul3A_6 = arith.muli %add3A, %mul3A_5 : i32
    %add3A_7 = arith.constant 0 : i32
    %add3A_8 = arith.addi %mul3A_6, %add3A_7 : i32
    "tpu.region"() ({
      %run_scoped3A = tpu.sem_alloc : memref<!tpu.dma_semaphore, #tpu.memory_space<semaphore_mem>>
      %dma_start3A_68 = arith.constant 0 : i32
      %dma_start3A_69 = tpu.memref_slice %arg3[%add3A_8, %dma_start3A_68] : memref<2560x128xi32, #tpu.memory_space<hbm>> -> memref<40x128xi32, #tpu.memory_space<hbm>>
      %dma_start3A_70 = arith.constant 0 : i32
      %dma_start3A_71 = tpu.memref_slice %arg3[%add3A_8, %dma_start3A_70] : memref<2560x128xi32, #tpu.memory_space<hbm>> -> memref<40x128xi32, #tpu.memory_space<hbm>>
      tpu.enqueue_dma source(%dma_start3A_71 : memref<40x128xi32, #tpu.memory_space<hbm>>) target(%arg7 : memref<40x128xi32, #tpu.memory_space<vmem>>) target_semaphore(%run_scoped3A : memref<!tpu.dma_semaphore, #tpu.memory_space<semaphore_mem>>)
      %dma_wait3A = arith.constant 0 : i32
      %dma_wait3A_72 = tpu.memref_slice %arg3[%add3A_8, %dma_wait3A] : memref<2560x128xi32, #tpu.memory_space<hbm>> -> memref<40x128xi32, #tpu.memory_space<hbm>>
      %dma_wait3A_73 = arith.constant 0 : i32
      %dma_wait3A_74 = tpu.memref_slice %arg3[%add3A_8, %dma_wait3A_73] : memref<2560x128xi32, #tpu.memory_space<hbm>> -> memref<40x128xi32, #tpu.memory_space<hbm>>
      tpu.wait_dma2 semaphore(%run_scoped3A : memref<!tpu.dma_semaphore, #tpu.memory_space<semaphore_mem>>) src(%dma_wait3A_74 : memref<40x128xi32, #tpu.memory_space<hbm>>) dst(%arg7 : memref<40x128xi32, #tpu.memory_space<vmem>>)
      tpu.yield
    }) : () -> ()
    "tpu.region"() ({
      %run_scoped3A = tpu.sem_alloc : memref<!tpu.dma_semaphore, #tpu.memory_space<semaphore_mem>>
      %dma_start3A_68 = arith.constant 0 : i32
      %dma_start3A_69 = tpu.memref_slice %arg4[%add3A_8, %dma_start3A_68] : memref<2560x128xi32, #tpu.memory_space<hbm>> -> memref<40x128xi32, #tpu.memory_space<hbm>>
      %dma_start3A_70 = arith.constant 0 : i32
      %dma_start3A_71 = tpu.memref_slice %arg4[%add3A_8, %dma_start3A_70] : memref<2560x128xi32, #tpu.memory_space<hbm>> -> memref<40x128xi32, #tpu.memory_space<hbm>>
      tpu.enqueue_dma source(%dma_start3A_71 : memref<40x128xi32, #tpu.memory_space<hbm>>) target(%arg8 : memref<40x128xi32, #tpu.memory_space<vmem>>) target_semaphore(%run_scoped3A : memref<!tpu.dma_semaphore, #tpu.memory_space<semaphore_mem>>)
      %dma_wait3A = arith.constant 0 : i32
      %dma_wait3A_72 = tpu.memref_slice %arg4[%add3A_8, %dma_wait3A] : memref<2560x128xi32, #tpu.memory_space<hbm>> -> memref<40x128xi32, #tpu.memory_space<hbm>>
      %dma_wait3A_73 = arith.constant 0 : i32
      %dma_wait3A_74 = tpu.memref_slice %arg4[%add3A_8, %dma_wait3A_73] : memref<2560x128xi32, #tpu.memory_space<hbm>> -> memref<40x128xi32, #tpu.memory_space<hbm>>
      tpu.wait_dma2 semaphore(%run_scoped3A : memref<!tpu.dma_semaphore, #tpu.memory_space<semaphore_mem>>) src(%dma_wait3A_74 : memref<40x128xi32, #tpu.memory_space<hbm>>) dst(%arg8 : memref<40x128xi32, #tpu.memory_space<vmem>>)
      tpu.yield
    }) : () -> ()
    %dma_start3A = arith.constant 0 : i32
    %dma_start3A_9 = arith.constant 0 : i32
    %dma_start3A_10 = arith.constant 0 : i32
    %dma_start3A_11 = tpu.memref_slice %arg9[%dma_start3A_9, %dma_start3A_10] : memref<256x128xf32, #tpu.memory_space<vmem>> -> memref<128x128xf32, #tpu.memory_space<vmem>>
    %dma_start3A_12 = arith.constant 0 : i32
    %dma_start3A_13 = tpu.memref_slice %arg7[%dma_start3A, %dma_start3A_12] : memref<40x128xi32, #tpu.memory_space<vmem>> -> memref<1x128xi32, #tpu.memory_space<vmem>>
    %dma_start3A_14 = tpu.memref_squeeze %dma_start3A_13 : memref<1x128xi32, #tpu.memory_space<vmem>> -> memref<128xi32, #tpu.memory_space<vmem>>
    %dma_start3A_15 = arith.constant 0 : i32
    %dma_start3A_16 = arith.constant 0 : i32
    %dma_start3A_17 = tpu.memref_slice %arg2[%dma_start3A_15, %dma_start3A_16] : memref<10240x128xf32, #tpu.memory_space<hbm>> -> memref<10240x128xf32, #tpu.memory_space<hbm>>
    tpu.enqueue_indirect_dma source(%dma_start3A_17 : memref<10240x128xf32, #tpu.memory_space<hbm>>) target(%dma_start3A_11 : memref<128x128xf32, #tpu.memory_space<vmem>>) offsets(%dma_start3A_14 : memref<128xi32, #tpu.memory_space<vmem>>) semaphore(%arg11 : memref<!tpu.dma_semaphore, #tpu.memory_space<semaphore_mem>>)
    %dma_start3A_18 = arith.constant 1 : i32
    %dma_start3A_19 = arith.constant 128 : i32
    %dma_start3A_20 = arith.constant 0 : i32
    %dma_start3A_21 = tpu.memref_slice %arg9[%dma_start3A_19, %dma_start3A_20] : memref<256x128xf32, #tpu.memory_space<vmem>> -> memref<128x128xf32, #tpu.memory_space<vmem>>
    %dma_start3A_22 = arith.constant 0 : i32
    %dma_start3A_23 = tpu.memref_slice %arg7[%dma_start3A_18, %dma_start3A_22] : memref<40x128xi32, #tpu.memory_space<vmem>> -> memref<1x128xi32, #tpu.memory_space<vmem>>
    %dma_start3A_24 = tpu.memref_squeeze %dma_start3A_23 : memref<1x128xi32, #tpu.memory_space<vmem>> -> memref<128xi32, #tpu.memory_space<vmem>>
    %dma_start3A_25 = arith.constant 0 : i32
    %dma_start3A_26 = arith.constant 0 : i32
    %dma_start3A_27 = tpu.memref_slice %arg2[%dma_start3A_25, %dma_start3A_26] : memref<10240x128xf32, #tpu.memory_space<hbm>> -> memref<10240x128xf32, #tpu.memory_space<hbm>>
    tpu.enqueue_indirect_dma source(%dma_start3A_27 : memref<10240x128xf32, #tpu.memory_space<hbm>>) target(%dma_start3A_21 : memref<128x128xf32, #tpu.memory_space<vmem>>) offsets(%dma_start3A_24 : memref<128xi32, #tpu.memory_space<vmem>>) semaphore(%arg11 : memref<!tpu.dma_semaphore, #tpu.memory_space<semaphore_mem>>)
    %scan3A = arith.constant 0 : i32
    %scan3A_28 = arith.constant 0 : i32
    %scan3A_29 = arith.constant 40 : i32
    %scan3A_30 = arith.addi %scan3A_28, %scan3A_29 : i32
    %scan3A_31 = arith.constant 1 : i32
    scf.for %scan3A_68 = %scan3A_28 to %scan3A_30 step %scan3A_31  : i32 {
      %rem3A = arith.constant 2 : i32
      %rem3A_69 = arith.remsi %scan3A_68, %rem3A : i32
      %mul3A_70 = arith.constant 128 : i32
      %mul3A_71 = arith.muli %rem3A_69, %mul3A_70 : i32
      %dma_wait3A = arith.constant 0 : i32
      %dma_wait3A_72 = tpu.memref_slice %arg9[%mul3A_71, %dma_wait3A] : memref<256x128xf32, #tpu.memory_space<vmem>> -> memref<128x128xf32, #tpu.memory_space<vmem>>
      %dma_wait3A_73 = arith.constant 0 : i32
      %dma_wait3A_74 = tpu.memref_slice %arg7[%scan3A_68, %dma_wait3A_73] : memref<40x128xi32, #tpu.memory_space<vmem>> -> memref<1x128xi32, #tpu.memory_space<vmem>>
      %dma_wait3A_75 = tpu.memref_squeeze %dma_wait3A_74 : memref<1x128xi32, #tpu.memory_space<vmem>> -> memref<128xi32, #tpu.memory_space<vmem>>
      %dma_wait3A_76 = arith.constant 0 : i32
      %dma_wait3A_77 = arith.constant 0 : i32
      %dma_wait3A_78 = tpu.memref_slice %arg2[%dma_wait3A_76, %dma_wait3A_77] : memref<10240x128xf32, #tpu.memory_space<hbm>> -> memref<10240x128xf32, #tpu.memory_space<hbm>>
      tpu.wait_indirect_dma semaphore(%arg11 : memref<!tpu.dma_semaphore, #tpu.memory_space<semaphore_mem>>) src(%dma_wait3A_78 : memref<10240x128xf32, #tpu.memory_space<hbm>>) dst(%dma_wait3A_72 : memref<128x128xf32, #tpu.memory_space<vmem>>)
      %dma_start3A_79 = arith.constant 0 : i32
      %dma_start3A_80 = tpu.memref_slice %arg9[%mul3A_71, %dma_start3A_79] : memref<256x128xf32, #tpu.memory_space<vmem>> -> memref<128x128xf32, #tpu.memory_space<vmem>>
      %dma_start3A_81 = arith.constant 0 : i32
      %dma_start3A_82 = tpu.memref_slice %arg8[%scan3A_68, %dma_start3A_81] : memref<40x128xi32, #tpu.memory_space<vmem>> -> memref<1x128xi32, #tpu.memory_space<vmem>>
      %dma_start3A_83 = tpu.memref_squeeze %dma_start3A_82 : memref<1x128xi32, #tpu.memory_space<vmem>> -> memref<128xi32, #tpu.memory_space<vmem>>
      %dma_start3A_84 = arith.constant 0 : i32
      %dma_start3A_85 = arith.constant 0 : i32
      %dma_start3A_86 = tpu.memref_slice %arg10[%dma_start3A_84, %dma_start3A_85] : memref<10240x128xf32, #tpu.memory_space<vmem_shared>> -> memref<10240x128xf32, #tpu.memory_space<vmem_shared>>
      tpu.enqueue_indirect_dma source(%dma_start3A_80 : memref<128x128xf32, #tpu.memory_space<vmem>>) target(%dma_start3A_86 : memref<10240x128xf32, #tpu.memory_space<vmem_shared>>) offsets(%dma_start3A_83 : memref<128xi32, #tpu.memory_space<vmem>>) semaphore(%arg12 : memref<!tpu.dma_semaphore, #tpu.memory_space<semaphore_mem>>) {add = true}
      %dma_wait3A_87 = arith.constant 0 : i32
      %dma_wait3A_88 = tpu.memref_slice %arg9[%mul3A_71, %dma_wait3A_87] : memref<256x128xf32, #tpu.memory_space<vmem>> -> memref<128x128xf32, #tpu.memory_space<vmem>>
      %dma_wait3A_89 = arith.constant 0 : i32
      %dma_wait3A_90 = tpu.memref_slice %arg8[%scan3A_68, %dma_wait3A_89] : memref<40x128xi32, #tpu.memory_space<vmem>> -> memref<1x128xi32, #tpu.memory_space<vmem>>
      %dma_wait3A_91 = tpu.memref_squeeze %dma_wait3A_90 : memref<1x128xi32, #tpu.memory_space<vmem>> -> memref<128xi32, #tpu.memory_space<vmem>>
      %dma_wait3A_92 = arith.constant 0 : i32
      %dma_wait3A_93 = arith.constant 0 : i32
      %dma_wait3A_94 = tpu.memref_slice %arg10[%dma_wait3A_92, %dma_wait3A_93] : memref<10240x128xf32, #tpu.memory_space<vmem_shared>> -> memref<10240x128xf32, #tpu.memory_space<vmem_shared>>
      tpu.wait_indirect_dma semaphore(%arg12 : memref<!tpu.dma_semaphore, #tpu.memory_space<semaphore_mem>>) src(%dma_wait3A_88 : memref<128x128xf32, #tpu.memory_space<vmem>>) dst(%dma_wait3A_94 : memref<10240x128xf32, #tpu.memory_space<vmem_shared>>)
      %add3A_95 = arith.constant 2 : i32
      %add3A_96 = arith.addi %scan3A_68, %add3A_95 : i32
      %lt3A = arith.constant 40 : i32
      %lt3A_97 = arith.cmpi slt, %add3A_96, %lt3A : i32
      %convert_element_type3A = arith.extui %lt3A_97 : i1 to i32
      %cond3A = arith.constant 0 : i32
      %cond3A_98 = arith.cmpi ne, %convert_element_type3A, %cond3A : i32
      scf.if %cond3A_98 {
        %add3A_99 = arith.constant 2 : i32
        %add3A_100 = arith.addi %scan3A_68, %add3A_99 : i32
        %dma_start3A_101 = arith.constant 0 : i32
        %dma_start3A_102 = tpu.memref_slice %arg9[%mul3A_71, %dma_start3A_101] : memref<256x128xf32, #tpu.memory_space<vmem>> -> memref<128x128xf32, #tpu.memory_space<vmem>>
        %dma_start3A_103 = arith.constant 0 : i32
        %dma_start3A_104 = tpu.memref_slice %arg7[%add3A_100, %dma_start3A_103] : memref<40x128xi32, #tpu.memory_space<vmem>> -> memref<1x128xi32, #tpu.memory_space<vmem>>
        %dma_start3A_105 = tpu.memref_squeeze %dma_start3A_104 : memref<1x128xi32, #tpu.memory_space<vmem>> -> memref<128xi32, #tpu.memory_space<vmem>>
        %dma_start3A_106 = arith.constant 0 : i32
        %dma_start3A_107 = arith.constant 0 : i32
        %dma_start3A_108 = tpu.memref_slice %arg2[%dma_start3A_106, %dma_start3A_107] : memref<10240x128xf32, #tpu.memory_space<hbm>> -> memref<10240x128xf32, #tpu.memory_space<hbm>>
        tpu.enqueue_indirect_dma source(%dma_start3A_108 : memref<10240x128xf32, #tpu.memory_space<hbm>>) target(%dma_start3A_102 : memref<128x128xf32, #tpu.memory_space<vmem>>) offsets(%dma_start3A_105 : memref<128xi32, #tpu.memory_space<vmem>>) semaphore(%arg11 : memref<!tpu.dma_semaphore, #tpu.memory_space<semaphore_mem>>)
      } else {
      }
    }
    %scan3A_32 = arith.constant 40 : i32
    %mul3A_33 = arith.constant 80 : i32
    %mul3A_34 = arith.muli %add3A, %mul3A_33 : i32
    %add3A_35 = arith.constant 40 : i32
    %add3A_36 = arith.addi %mul3A_34, %add3A_35 : i32
    "tpu.region"() ({
      %run_scoped3A = tpu.sem_alloc : memref<!tpu.dma_semaphore, #tpu.memory_space<semaphore_mem>>
      %dma_start3A_68 = arith.constant 0 : i32
      %dma_start3A_69 = tpu.memref_slice %arg3[%add3A_36, %dma_start3A_68] : memref<2560x128xi32, #tpu.memory_space<hbm>> -> memref<40x128xi32, #tpu.memory_space<hbm>>
      %dma_start3A_70 = arith.constant 0 : i32
      %dma_start3A_71 = tpu.memref_slice %arg3[%add3A_36, %dma_start3A_70] : memref<2560x128xi32, #tpu.memory_space<hbm>> -> memref<40x128xi32, #tpu.memory_space<hbm>>
      tpu.enqueue_dma source(%dma_start3A_71 : memref<40x128xi32, #tpu.memory_space<hbm>>) target(%arg7 : memref<40x128xi32, #tpu.memory_space<vmem>>) target_semaphore(%run_scoped3A : memref<!tpu.dma_semaphore, #tpu.memory_space<semaphore_mem>>)
      %dma_wait3A = arith.constant 0 : i32
      %dma_wait3A_72 = tpu.memref_slice %arg3[%add3A_36, %dma_wait3A] : memref<2560x128xi32, #tpu.memory_space<hbm>> -> memref<40x128xi32, #tpu.memory_space<hbm>>
      %dma_wait3A_73 = arith.constant 0 : i32
      %dma_wait3A_74 = tpu.memref_slice %arg3[%add3A_36, %dma_wait3A_73] : memref<2560x128xi32, #tpu.memory_space<hbm>> -> memref<40x128xi32, #tpu.memory_space<hbm>>
      tpu.wait_dma2 semaphore(%run_scoped3A : memref<!tpu.dma_semaphore, #tpu.memory_space<semaphore_mem>>) src(%dma_wait3A_74 : memref<40x128xi32, #tpu.memory_space<hbm>>) dst(%arg7 : memref<40x128xi32, #tpu.memory_space<vmem>>)
      tpu.yield
    }) : () -> ()
    "tpu.region"() ({
      %run_scoped3A = tpu.sem_alloc : memref<!tpu.dma_semaphore, #tpu.memory_space<semaphore_mem>>
      %dma_start3A_68 = arith.constant 0 : i32
      %dma_start3A_69 = tpu.memref_slice %arg4[%add3A_36, %dma_start3A_68] : memref<2560x128xi32, #tpu.memory_space<hbm>> -> memref<40x128xi32, #tpu.memory_space<hbm>>
      %dma_start3A_70 = arith.constant 0 : i32
      %dma_start3A_71 = tpu.memref_slice %arg4[%add3A_36, %dma_start3A_70] : memref<2560x128xi32, #tpu.memory_space<hbm>> -> memref<40x128xi32, #tpu.memory_space<hbm>>
      tpu.enqueue_dma source(%dma_start3A_71 : memref<40x128xi32, #tpu.memory_space<hbm>>) target(%arg8 : memref<40x128xi32, #tpu.memory_space<vmem>>) target_semaphore(%run_scoped3A : memref<!tpu.dma_semaphore, #tpu.memory_space<semaphore_mem>>)
      %dma_wait3A = arith.constant 0 : i32
      %dma_wait3A_72 = tpu.memref_slice %arg4[%add3A_36, %dma_wait3A] : memref<2560x128xi32, #tpu.memory_space<hbm>> -> memref<40x128xi32, #tpu.memory_space<hbm>>
      %dma_wait3A_73 = arith.constant 0 : i32
      %dma_wait3A_74 = tpu.memref_slice %arg4[%add3A_36, %dma_wait3A_73] : memref<2560x128xi32, #tpu.memory_space<hbm>> -> memref<40x128xi32, #tpu.memory_space<hbm>>
      tpu.wait_dma2 semaphore(%run_scoped3A : memref<!tpu.dma_semaphore, #tpu.memory_space<semaphore_mem>>) src(%dma_wait3A_74 : memref<40x128xi32, #tpu.memory_space<hbm>>) dst(%arg8 : memref<40x128xi32, #tpu.memory_space<vmem>>)
      tpu.yield
    }) : () -> ()
    %dma_start3A_37 = arith.constant 0 : i32
    %dma_start3A_38 = arith.constant 0 : i32
    %dma_start3A_39 = arith.constant 0 : i32
    %dma_start3A_40 = tpu.memref_slice %arg9[%dma_start3A_38, %dma_start3A_39] : memref<256x128xf32, #tpu.memory_space<vmem>> -> memref<128x128xf32, #tpu.memory_space<vmem>>
    %dma_start3A_41 = arith.constant 0 : i32
    %dma_start3A_42 = tpu.memref_slice %arg7[%dma_start3A_37, %dma_start3A_41] : memref<40x128xi32, #tpu.memory_space<vmem>> -> memref<1x128xi32, #tpu.memory_space<vmem>>
    %dma_start3A_43 = tpu.memref_squeeze %dma_start3A_42 : memref<1x128xi32, #tpu.memory_space<vmem>> -> memref<128xi32, #tpu.memory_space<vmem>>
    %dma_start3A_44 = arith.constant 0 : i32
    %dma_start3A_45 = arith.constant 0 : i32
    %dma_start3A_46 = tpu.memref_slice %arg2[%dma_start3A_44, %dma_start3A_45] : memref<10240x128xf32, #tpu.memory_space<hbm>> -> memref<10240x128xf32, #tpu.memory_space<hbm>>
    tpu.enqueue_indirect_dma source(%dma_start3A_46 : memref<10240x128xf32, #tpu.memory_space<hbm>>) target(%dma_start3A_40 : memref<128x128xf32, #tpu.memory_space<vmem>>) offsets(%dma_start3A_43 : memref<128xi32, #tpu.memory_space<vmem>>) semaphore(%arg11 : memref<!tpu.dma_semaphore, #tpu.memory_space<semaphore_mem>>)
    %dma_start3A_47 = arith.constant 1 : i32
    %dma_start3A_48 = arith.constant 128 : i32
    %dma_start3A_49 = arith.constant 0 : i32
    %dma_start3A_50 = tpu.memref_slice %arg9[%dma_start3A_48, %dma_start3A_49] : memref<256x128xf32, #tpu.memory_space<vmem>> -> memref<128x128xf32, #tpu.memory_space<vmem>>
    %dma_start3A_51 = arith.constant 0 : i32
    %dma_start3A_52 = tpu.memref_slice %arg7[%dma_start3A_47, %dma_start3A_51] : memref<40x128xi32, #tpu.memory_space<vmem>> -> memref<1x128xi32, #tpu.memory_space<vmem>>
    %dma_start3A_53 = tpu.memref_squeeze %dma_start3A_52 : memref<1x128xi32, #tpu.memory_space<vmem>> -> memref<128xi32, #tpu.memory_space<vmem>>
    %dma_start3A_54 = arith.constant 0 : i32
    %dma_start3A_55 = arith.constant 0 : i32
    %dma_start3A_56 = tpu.memref_slice %arg2[%dma_start3A_54, %dma_start3A_55] : memref<10240x128xf32, #tpu.memory_space<hbm>> -> memref<10240x128xf32, #tpu.memory_space<hbm>>
    tpu.enqueue_indirect_dma source(%dma_start3A_56 : memref<10240x128xf32, #tpu.memory_space<hbm>>) target(%dma_start3A_50 : memref<128x128xf32, #tpu.memory_space<vmem>>) offsets(%dma_start3A_53 : memref<128xi32, #tpu.memory_space<vmem>>) semaphore(%arg11 : memref<!tpu.dma_semaphore, #tpu.memory_space<semaphore_mem>>)
    %scan3A_57 = arith.constant 0 : i32
    %scan3A_58 = arith.constant 0 : i32
    %scan3A_59 = arith.constant 40 : i32
    %scan3A_60 = arith.addi %scan3A_58, %scan3A_59 : i32
    %scan3A_61 = arith.constant 1 : i32
    scf.for %scan3A_68 = %scan3A_58 to %scan3A_60 step %scan3A_61  : i32 {
      %rem3A = arith.constant 2 : i32
      %rem3A_69 = arith.remsi %scan3A_68, %rem3A : i32
      %mul3A_70 = arith.constant 128 : i32
      %mul3A_71 = arith.muli %rem3A_69, %mul3A_70 : i32
      %dma_wait3A = arith.constant 0 : i32
      %dma_wait3A_72 = tpu.memref_slice %arg9[%mul3A_71, %dma_wait3A] : memref<256x128xf32, #tpu.memory_space<vmem>> -> memref<128x128xf32, #tpu.memory_space<vmem>>
      %dma_wait3A_73 = arith.constant 0 : i32
      %dma_wait3A_74 = tpu.memref_slice %arg7[%scan3A_68, %dma_wait3A_73] : memref<40x128xi32, #tpu.memory_space<vmem>> -> memref<1x128xi32, #tpu.memory_space<vmem>>
      %dma_wait3A_75 = tpu.memref_squeeze %dma_wait3A_74 : memref<1x128xi32, #tpu.memory_space<vmem>> -> memref<128xi32, #tpu.memory_space<vmem>>
      %dma_wait3A_76 = arith.constant 0 : i32
      %dma_wait3A_77 = arith.constant 0 : i32
      %dma_wait3A_78 = tpu.memref_slice %arg2[%dma_wait3A_76, %dma_wait3A_77] : memref<10240x128xf32, #tpu.memory_space<hbm>> -> memref<10240x128xf32, #tpu.memory_space<hbm>>
      tpu.wait_indirect_dma semaphore(%arg11 : memref<!tpu.dma_semaphore, #tpu.memory_space<semaphore_mem>>) src(%dma_wait3A_78 : memref<10240x128xf32, #tpu.memory_space<hbm>>) dst(%dma_wait3A_72 : memref<128x128xf32, #tpu.memory_space<vmem>>)
      %dma_start3A_79 = arith.constant 0 : i32
      %dma_start3A_80 = tpu.memref_slice %arg9[%mul3A_71, %dma_start3A_79] : memref<256x128xf32, #tpu.memory_space<vmem>> -> memref<128x128xf32, #tpu.memory_space<vmem>>
      %dma_start3A_81 = arith.constant 0 : i32
      %dma_start3A_82 = tpu.memref_slice %arg8[%scan3A_68, %dma_start3A_81] : memref<40x128xi32, #tpu.memory_space<vmem>> -> memref<1x128xi32, #tpu.memory_space<vmem>>
      %dma_start3A_83 = tpu.memref_squeeze %dma_start3A_82 : memref<1x128xi32, #tpu.memory_space<vmem>> -> memref<128xi32, #tpu.memory_space<vmem>>
      %dma_start3A_84 = arith.constant 0 : i32
      %dma_start3A_85 = arith.constant 0 : i32
      %dma_start3A_86 = tpu.memref_slice %arg10[%dma_start3A_84, %dma_start3A_85] : memref<10240x128xf32, #tpu.memory_space<vmem_shared>> -> memref<10240x128xf32, #tpu.memory_space<vmem_shared>>
      tpu.enqueue_indirect_dma source(%dma_start3A_80 : memref<128x128xf32, #tpu.memory_space<vmem>>) target(%dma_start3A_86 : memref<10240x128xf32, #tpu.memory_space<vmem_shared>>) offsets(%dma_start3A_83 : memref<128xi32, #tpu.memory_space<vmem>>) semaphore(%arg12 : memref<!tpu.dma_semaphore, #tpu.memory_space<semaphore_mem>>) {add = true}
      %dma_wait3A_87 = arith.constant 0 : i32
      %dma_wait3A_88 = tpu.memref_slice %arg9[%mul3A_71, %dma_wait3A_87] : memref<256x128xf32, #tpu.memory_space<vmem>> -> memref<128x128xf32, #tpu.memory_space<vmem>>
      %dma_wait3A_89 = arith.constant 0 : i32
      %dma_wait3A_90 = tpu.memref_slice %arg8[%scan3A_68, %dma_wait3A_89] : memref<40x128xi32, #tpu.memory_space<vmem>> -> memref<1x128xi32, #tpu.memory_space<vmem>>
      %dma_wait3A_91 = tpu.memref_squeeze %dma_wait3A_90 : memref<1x128xi32, #tpu.memory_space<vmem>> -> memref<128xi32, #tpu.memory_space<vmem>>
      %dma_wait3A_92 = arith.constant 0 : i32
      %dma_wait3A_93 = arith.constant 0 : i32
      %dma_wait3A_94 = tpu.memref_slice %arg10[%dma_wait3A_92, %dma_wait3A_93] : memref<10240x128xf32, #tpu.memory_space<vmem_shared>> -> memref<10240x128xf32, #tpu.memory_space<vmem_shared>>
      tpu.wait_indirect_dma semaphore(%arg12 : memref<!tpu.dma_semaphore, #tpu.memory_space<semaphore_mem>>) src(%dma_wait3A_88 : memref<128x128xf32, #tpu.memory_space<vmem>>) dst(%dma_wait3A_94 : memref<10240x128xf32, #tpu.memory_space<vmem_shared>>)
      %add3A_95 = arith.constant 2 : i32
      %add3A_96 = arith.addi %scan3A_68, %add3A_95 : i32
      %lt3A = arith.constant 40 : i32
      %lt3A_97 = arith.cmpi slt, %add3A_96, %lt3A : i32
      %convert_element_type3A = arith.extui %lt3A_97 : i1 to i32
      %cond3A = arith.constant 0 : i32
      %cond3A_98 = arith.cmpi ne, %convert_element_type3A, %cond3A : i32
      scf.if %cond3A_98 {
        %add3A_99 = arith.constant 2 : i32
        %add3A_100 = arith.addi %scan3A_68, %add3A_99 : i32
        %dma_start3A_101 = arith.constant 0 : i32
        %dma_start3A_102 = tpu.memref_slice %arg9[%mul3A_71, %dma_start3A_101] : memref<256x128xf32, #tpu.memory_space<vmem>> -> memref<128x128xf32, #tpu.memory_space<vmem>>
        %dma_start3A_103 = arith.constant 0 : i32
        %dma_start3A_104 = tpu.memref_slice %arg7[%add3A_100, %dma_start3A_103] : memref<40x128xi32, #tpu.memory_space<vmem>> -> memref<1x128xi32, #tpu.memory_space<vmem>>
        %dma_start3A_105 = tpu.memref_squeeze %dma_start3A_104 : memref<1x128xi32, #tpu.memory_space<vmem>> -> memref<128xi32, #tpu.memory_space<vmem>>
        %dma_start3A_106 = arith.constant 0 : i32
        %dma_start3A_107 = arith.constant 0 : i32
        %dma_start3A_108 = tpu.memref_slice %arg2[%dma_start3A_106, %dma_start3A_107] : memref<10240x128xf32, #tpu.memory_space<hbm>> -> memref<10240x128xf32, #tpu.memory_space<hbm>>
        tpu.enqueue_indirect_dma source(%dma_start3A_108 : memref<10240x128xf32, #tpu.memory_space<hbm>>) target(%dma_start3A_102 : memref<128x128xf32, #tpu.memory_space<vmem>>) offsets(%dma_start3A_105 : memref<128xi32, #tpu.memory_space<vmem>>) semaphore(%arg11 : memref<!tpu.dma_semaphore, #tpu.memory_space<semaphore_mem>>)
      } else {
      }
    }
    %scan3A_62 = arith.constant 40 : i32
    %barrier3A_63 = arith.constant 0 : index
    tpu.barrier barrier_id(%barrier3A_63)
    %mul3A_64 = arith.constant 640 : i32
    %mul3A_65 = arith.muli %arg1, %mul3A_64 : i32
    %mul3A_66 = arith.constant 640 : i32
    %mul3A_67 = arith.muli %arg1, %mul3A_66 : i32
    "tpu.region"() ({
      %run_scoped3A = tpu.sem_alloc : memref<!tpu.dma_semaphore, #tpu.memory_space<semaphore_mem>>
      %dma_start3A_68 = arith.constant 0 : i32
      %dma_start3A_69 = tpu.memref_slice %arg6[%arg0, %mul3A_67, %dma_start3A_68] : memref<2x10240x128xf32, #tpu.memory_space<hbm>> -> memref<1x640x128xf32, #tpu.memory_space<hbm>>
      %dma_start3A_70 = tpu.memref_squeeze %dma_start3A_69 : memref<1x640x128xf32, #tpu.memory_space<hbm>> -> memref<640x128xf32, #tpu.memory_space<hbm>>
      %dma_start3A_71 = arith.constant 0 : i32
      %dma_start3A_72 = tpu.memref_slice %arg10[%mul3A_65, %dma_start3A_71] : memref<10240x128xf32, #tpu.memory_space<vmem_shared>> -> memref<640x128xf32, #tpu.memory_space<vmem_shared>>
      tpu.enqueue_dma source(%dma_start3A_72 : memref<640x128xf32, #tpu.memory_space<vmem_shared>>) target(%dma_start3A_70 : memref<640x128xf32, #tpu.memory_space<hbm>>) target_semaphore(%run_scoped3A : memref<!tpu.dma_semaphore, #tpu.memory_space<semaphore_mem>>)
      %dma_wait3A = arith.constant 0 : i32
      %dma_wait3A_73 = tpu.memref_slice %arg6[%arg0, %mul3A_67, %dma_wait3A] : memref<2x10240x128xf32, #tpu.memory_space<hbm>> -> memref<1x640x128xf32, #tpu.memory_space<hbm>>
      %dma_wait3A_74 = tpu.memref_squeeze %dma_wait3A_73 : memref<1x640x128xf32, #tpu.memory_space<hbm>> -> memref<640x128xf32, #tpu.memory_space<hbm>>
      %dma_wait3A_75 = arith.constant 0 : i32
      %dma_wait3A_76 = tpu.memref_slice %arg10[%mul3A_65, %dma_wait3A_75] : memref<10240x128xf32, #tpu.memory_space<vmem_shared>> -> memref<640x128xf32, #tpu.memory_space<vmem_shared>>
      tpu.wait_dma2 semaphore(%run_scoped3A : memref<!tpu.dma_semaphore, #tpu.memory_space<semaphore_mem>>) src(%dma_wait3A_76 : memref<640x128xf32, #tpu.memory_space<vmem_shared>>) dst(%dma_wait3A_74 : memref<640x128xf32, #tpu.memory_space<hbm>>)
      tpu.yield
    }) : () -> ()
    return
  }
}

#map = affine_map<(d0, d1) -> (0, 0)>
#map1 = affine_map<(d0, d1) -> (0, 0, 0)>
module attributes {stable_mosaic.version = 14 : i64} {
  func.func @deg_kernel(%arg0: i32, %arg1: i32, %arg2: memref<2560x128xi32, #tpu.memory_space<hbm>>, %arg3: memref<128x128xf32, #tpu.memory_space<hbm>>, %arg4: memref<10240x128xf32, #tpu.memory_space<hbm>>, %arg5: memref<2x10240x128xf32, #tpu.memory_space<hbm>>, %arg6: memref<80x128xi32, #tpu.memory_space<vmem>>, %arg7: memref<128x128xf32, #tpu.memory_space<vmem>>, %arg8: memref<10240x128xf32, #tpu.memory_space<vmem_shared>>, %arg9: memref<!tpu.dma_semaphore, #tpu.memory_space<semaphore_mem>>) attributes {dimension_semantics = [#tpu.dimension_semantics<core_parallel>, #tpu.dimension_semantics<subcore_parallel>], iteration_bounds = array<i64: 2, 16>, scalar_prefetch = 0 : i64, scratch_operands = 4 : i64, tpu.core_type = #tpu.core_type<sc_vector_subcore>, window_params = [{transform_indices = #map}, {transform_indices = #map}, {transform_indices = #map}, {transform_indices = #map1}]} {
    %mul3A = arith.constant 2 : i32
    %mul3A_0 = arith.muli %arg1, %mul3A : i32
    %add3A = arith.addi %mul3A_0, %arg0 : i32
    %mul3A_1 = arith.constant 640 : i32
    %mul3A_2 = arith.muli %arg1, %mul3A_1 : i32
    %mul3A_3 = arith.constant 640 : i32
    %mul3A_4 = arith.muli %arg1, %mul3A_3 : i32
    "tpu.region"() ({
      %run_scoped3A = tpu.sem_alloc : memref<!tpu.dma_semaphore, #tpu.memory_space<semaphore_mem>>
      %dma_start3A = arith.constant 0 : i32
      %dma_start3A_23 = tpu.memref_slice %arg8[%mul3A_4, %dma_start3A] : memref<10240x128xf32, #tpu.memory_space<vmem_shared>> -> memref<640x128xf32, #tpu.memory_space<vmem_shared>>
      %dma_start3A_24 = arith.constant 0 : i32
      %dma_start3A_25 = tpu.memref_slice %arg4[%mul3A_2, %dma_start3A_24] : memref<10240x128xf32, #tpu.memory_space<hbm>> -> memref<640x128xf32, #tpu.memory_space<hbm>>
      tpu.enqueue_dma source(%dma_start3A_25 : memref<640x128xf32, #tpu.memory_space<hbm>>) target(%dma_start3A_23 : memref<640x128xf32, #tpu.memory_space<vmem_shared>>) target_semaphore(%run_scoped3A : memref<!tpu.dma_semaphore, #tpu.memory_space<semaphore_mem>>)
      %dma_wait3A = arith.constant 0 : i32
      %dma_wait3A_26 = tpu.memref_slice %arg8[%mul3A_4, %dma_wait3A] : memref<10240x128xf32, #tpu.memory_space<vmem_shared>> -> memref<640x128xf32, #tpu.memory_space<vmem_shared>>
      %dma_wait3A_27 = arith.constant 0 : i32
      %dma_wait3A_28 = tpu.memref_slice %arg4[%mul3A_2, %dma_wait3A_27] : memref<10240x128xf32, #tpu.memory_space<hbm>> -> memref<640x128xf32, #tpu.memory_space<hbm>>
      tpu.wait_dma2 semaphore(%run_scoped3A : memref<!tpu.dma_semaphore, #tpu.memory_space<semaphore_mem>>) src(%dma_wait3A_28 : memref<640x128xf32, #tpu.memory_space<hbm>>) dst(%dma_wait3A_26 : memref<640x128xf32, #tpu.memory_space<vmem_shared>>)
      tpu.yield
    }) : () -> ()
    "tpu.region"() ({
      %run_scoped3A = tpu.sem_alloc : memref<!tpu.dma_semaphore, #tpu.memory_space<semaphore_mem>>
      tpu.enqueue_dma source(%arg3 : memref<128x128xf32, #tpu.memory_space<hbm>>) target(%arg7 : memref<128x128xf32, #tpu.memory_space<vmem>>) target_semaphore(%run_scoped3A : memref<!tpu.dma_semaphore, #tpu.memory_space<semaphore_mem>>)
      tpu.wait_dma2 semaphore(%run_scoped3A : memref<!tpu.dma_semaphore, #tpu.memory_space<semaphore_mem>>) src(%arg3 : memref<128x128xf32, #tpu.memory_space<hbm>>) dst(%arg7 : memref<128x128xf32, #tpu.memory_space<vmem>>)
      tpu.yield
    }) : () -> ()
    %mul3A_5 = arith.constant 80 : i32
    %mul3A_6 = arith.muli %add3A, %mul3A_5 : i32
    "tpu.region"() ({
      %run_scoped3A = tpu.sem_alloc : memref<!tpu.dma_semaphore, #tpu.memory_space<semaphore_mem>>
      %dma_start3A = arith.constant 0 : i32
      %dma_start3A_23 = tpu.memref_slice %arg2[%mul3A_6, %dma_start3A] : memref<2560x128xi32, #tpu.memory_space<hbm>> -> memref<80x128xi32, #tpu.memory_space<hbm>>
      %dma_start3A_24 = arith.constant 0 : i32
      %dma_start3A_25 = tpu.memref_slice %arg2[%mul3A_6, %dma_start3A_24] : memref<2560x128xi32, #tpu.memory_space<hbm>> -> memref<80x128xi32, #tpu.memory_space<hbm>>
      tpu.enqueue_dma source(%dma_start3A_25 : memref<80x128xi32, #tpu.memory_space<hbm>>) target(%arg6 : memref<80x128xi32, #tpu.memory_space<vmem>>) target_semaphore(%run_scoped3A : memref<!tpu.dma_semaphore, #tpu.memory_space<semaphore_mem>>)
      %dma_wait3A = arith.constant 0 : i32
      %dma_wait3A_26 = tpu.memref_slice %arg2[%mul3A_6, %dma_wait3A] : memref<2560x128xi32, #tpu.memory_space<hbm>> -> memref<80x128xi32, #tpu.memory_space<hbm>>
      %dma_wait3A_27 = arith.constant 0 : i32
      %dma_wait3A_28 = tpu.memref_slice %arg2[%mul3A_6, %dma_wait3A_27] : memref<2560x128xi32, #tpu.memory_space<hbm>> -> memref<80x128xi32, #tpu.memory_space<hbm>>
      tpu.wait_dma2 semaphore(%run_scoped3A : memref<!tpu.dma_semaphore, #tpu.memory_space<semaphore_mem>>) src(%dma_wait3A_28 : memref<80x128xi32, #tpu.memory_space<hbm>>) dst(%arg6 : memref<80x128xi32, #tpu.memory_space<vmem>>)
      tpu.yield
    }) : () -> ()
    %barrier3A = arith.constant 0 : index
    tpu.barrier barrier_id(%barrier3A)
    %scan3A = arith.constant 0 : i32
    %scan3A_7 = arith.constant 0 : i32
    %scan3A_8 = arith.constant 80 : i32
    %scan3A_9 = arith.addi %scan3A_7, %scan3A_8 : i32
    %scan3A_10 = arith.constant 1 : i32
    scf.for %scan3A_23 = %scan3A_7 to %scan3A_9 step %scan3A_10  : i32 {
      %dma_start3A = arith.constant 0 : i32
      %dma_start3A_24 = tpu.memref_slice %arg6[%scan3A_23, %dma_start3A] : memref<80x128xi32, #tpu.memory_space<vmem>> -> memref<1x128xi32, #tpu.memory_space<vmem>>
      %dma_start3A_25 = tpu.memref_squeeze %dma_start3A_24 : memref<1x128xi32, #tpu.memory_space<vmem>> -> memref<128xi32, #tpu.memory_space<vmem>>
      %dma_start3A_26 = arith.constant 0 : i32
      %dma_start3A_27 = arith.constant 0 : i32
      %dma_start3A_28 = tpu.memref_slice %arg8[%dma_start3A_26, %dma_start3A_27] : memref<10240x128xf32, #tpu.memory_space<vmem_shared>> -> memref<10240x128xf32, #tpu.memory_space<vmem_shared>>
      tpu.enqueue_indirect_dma source(%arg7 : memref<128x128xf32, #tpu.memory_space<vmem>>) target(%dma_start3A_28 : memref<10240x128xf32, #tpu.memory_space<vmem_shared>>) offsets(%dma_start3A_25 : memref<128xi32, #tpu.memory_space<vmem>>) semaphore(%arg9 : memref<!tpu.dma_semaphore, #tpu.memory_space<semaphore_mem>>) {add = true}
    }
    %scan3A_11 = arith.constant 80 : i32
    %scan3A_12 = arith.constant 0 : i32
    %scan3A_13 = arith.constant 0 : i32
    %scan3A_14 = arith.constant 80 : i32
    %scan3A_15 = arith.addi %scan3A_13, %scan3A_14 : i32
    %scan3A_16 = arith.constant 1 : i32
    scf.for %scan3A_23 = %scan3A_13 to %scan3A_15 step %scan3A_16  : i32 {
      %dma_wait3A = arith.constant 0 : i32
      %dma_wait3A_24 = tpu.memref_slice %arg6[%scan3A_23, %dma_wait3A] : memref<80x128xi32, #tpu.memory_space<vmem>> -> memref<1x128xi32, #tpu.memory_space<vmem>>
      %dma_wait3A_25 = tpu.memref_squeeze %dma_wait3A_24 : memref<1x128xi32, #tpu.memory_space<vmem>> -> memref<128xi32, #tpu.memory_space<vmem>>
      %dma_wait3A_26 = arith.constant 0 : i32
      %dma_wait3A_27 = arith.constant 0 : i32
      %dma_wait3A_28 = tpu.memref_slice %arg8[%dma_wait3A_26, %dma_wait3A_27] : memref<10240x128xf32, #tpu.memory_space<vmem_shared>> -> memref<10240x128xf32, #tpu.memory_space<vmem_shared>>
      tpu.wait_indirect_dma semaphore(%arg9 : memref<!tpu.dma_semaphore, #tpu.memory_space<semaphore_mem>>) src(%arg7 : memref<128x128xf32, #tpu.memory_space<vmem>>) dst(%dma_wait3A_28 : memref<10240x128xf32, #tpu.memory_space<vmem_shared>>)
    }
    %scan3A_17 = arith.constant 80 : i32
    %barrier3A_18 = arith.constant 0 : index
    tpu.barrier barrier_id(%barrier3A_18)
    %mul3A_19 = arith.constant 640 : i32
    %mul3A_20 = arith.muli %arg1, %mul3A_19 : i32
    %mul3A_21 = arith.constant 640 : i32
    %mul3A_22 = arith.muli %arg1, %mul3A_21 : i32
    "tpu.region"() ({
      %run_scoped3A = tpu.sem_alloc : memref<!tpu.dma_semaphore, #tpu.memory_space<semaphore_mem>>
      %dma_start3A = arith.constant 0 : i32
      %dma_start3A_23 = tpu.memref_slice %arg5[%arg0, %mul3A_22, %dma_start3A] : memref<2x10240x128xf32, #tpu.memory_space<hbm>> -> memref<1x640x128xf32, #tpu.memory_space<hbm>>
      %dma_start3A_24 = tpu.memref_squeeze %dma_start3A_23 : memref<1x640x128xf32, #tpu.memory_space<hbm>> -> memref<640x128xf32, #tpu.memory_space<hbm>>
      %dma_start3A_25 = arith.constant 0 : i32
      %dma_start3A_26 = tpu.memref_slice %arg8[%mul3A_20, %dma_start3A_25] : memref<10240x128xf32, #tpu.memory_space<vmem_shared>> -> memref<640x128xf32, #tpu.memory_space<vmem_shared>>
      tpu.enqueue_dma source(%dma_start3A_26 : memref<640x128xf32, #tpu.memory_space<vmem_shared>>) target(%dma_start3A_24 : memref<640x128xf32, #tpu.memory_space<hbm>>) target_semaphore(%run_scoped3A : memref<!tpu.dma_semaphore, #tpu.memory_space<semaphore_mem>>)
      %dma_wait3A = arith.constant 0 : i32
      %dma_wait3A_27 = tpu.memref_slice %arg5[%arg0, %mul3A_22, %dma_wait3A] : memref<2x10240x128xf32, #tpu.memory_space<hbm>> -> memref<1x640x128xf32, #tpu.memory_space<hbm>>
      %dma_wait3A_28 = tpu.memref_squeeze %dma_wait3A_27 : memref<1x640x128xf32, #tpu.memory_space<hbm>> -> memref<640x128xf32, #tpu.memory_space<hbm>>
      %dma_wait3A_29 = arith.constant 0 : i32
      %dma_wait3A_30 = tpu.memref_slice %arg8[%mul3A_20, %dma_wait3A_29] : memref<10240x128xf32, #tpu.memory_space<vmem_shared>> -> memref<640x128xf32, #tpu.memory_space<vmem_shared>>
      tpu.wait_dma2 semaphore(%run_scoped3A : memref<!tpu.dma_semaphore, #tpu.memory_space<semaphore_mem>>) src(%dma_wait3A_30 : memref<640x128xf32, #tpu.memory_space<vmem_shared>>) dst(%dma_wait3A_28 : memref<640x128xf32, #tpu.memory_space<hbm>>)
      tpu.yield
    }) : () -> ()
    return
  }
}

#map = affine_map<(d0, d1) -> (0, 0)>
#map1 = affine_map<(d0, d1) -> (0, 0, 0)>
module attributes {stable_mosaic.version = 14 : i64} {
  func.func @agg_kernel(%arg0: i32, %arg1: i32, %arg2: memref<10240x128xf32, #tpu.memory_space<hbm>>, %arg3: memref<2560x128xi32, #tpu.memory_space<hbm>>, %arg4: memref<2560x128xi32, #tpu.memory_space<hbm>>, %arg5: memref<10240x128xf32, #tpu.memory_space<hbm>>, %arg6: memref<2x10240x128xf32, #tpu.memory_space<hbm>>, %arg7: memref<40x128xi32, #tpu.memory_space<vmem>>, %arg8: memref<40x128xi32, #tpu.memory_space<vmem>>, %arg9: memref<256x128xf32, #tpu.memory_space<vmem>>, %arg10: memref<10240x128xf32, #tpu.memory_space<vmem_shared>>, %arg11: memref<!tpu.dma_semaphore, #tpu.memory_space<semaphore_mem>>, %arg12: memref<!tpu.dma_semaphore, #tpu.memory_space<semaphore_mem>>) attributes {dimension_semantics = [#tpu.dimension_semantics<core_parallel>, #tpu.dimension_semantics<subcore_parallel>], iteration_bounds = array<i64: 2, 16>, scalar_prefetch = 0 : i64, scratch_operands = 6 : i64, tpu.core_type = #tpu.core_type<sc_vector_subcore>, window_params = [{transform_indices = #map}, {transform_indices = #map}, {transform_indices = #map}, {transform_indices = #map}, {transform_indices = #map1}]} {
    %mul3A = arith.constant 16 : i32
    %mul3A_0 = arith.muli %arg0, %mul3A : i32
    %add3A = arith.addi %mul3A_0, %arg1 : i32
    %mul3A_1 = arith.constant 640 : i32
    %mul3A_2 = arith.muli %arg1, %mul3A_1 : i32
    %mul3A_3 = arith.constant 640 : i32
    %mul3A_4 = arith.muli %arg1, %mul3A_3 : i32
    "tpu.region"() ({
      %run_scoped3A = tpu.sem_alloc : memref<!tpu.dma_semaphore, #tpu.memory_space<semaphore_mem>>
      %dma_start3A_68 = arith.constant 0 : i32
      %dma_start3A_69 = tpu.memref_slice %arg10[%mul3A_4, %dma_start3A_68] : memref<10240x128xf32, #tpu.memory_space<vmem_shared>> -> memref<640x128xf32, #tpu.memory_space<vmem_shared>>
      %dma_start3A_70 = arith.constant 0 : i32
      %dma_start3A_71 = tpu.memref_slice %arg5[%mul3A_2, %dma_start3A_70] : memref<10240x128xf32, #tpu.memory_space<hbm>> -> memref<640x128xf32, #tpu.memory_space<hbm>>
      tpu.enqueue_dma source(%dma_start3A_71 : memref<640x128xf32, #tpu.memory_space<hbm>>) target(%dma_start3A_69 : memref<640x128xf32, #tpu.memory_space<vmem_shared>>) target_semaphore(%run_scoped3A : memref<!tpu.dma_semaphore, #tpu.memory_space<semaphore_mem>>)
      %dma_wait3A = arith.constant 0 : i32
      %dma_wait3A_72 = tpu.memref_slice %arg10[%mul3A_4, %dma_wait3A] : memref<10240x128xf32, #tpu.memory_space<vmem_shared>> -> memref<640x128xf32, #tpu.memory_space<vmem_shared>>
      %dma_wait3A_73 = arith.constant 0 : i32
      %dma_wait3A_74 = tpu.memref_slice %arg5[%mul3A_2, %dma_wait3A_73] : memref<10240x128xf32, #tpu.memory_space<hbm>> -> memref<640x128xf32, #tpu.memory_space<hbm>>
      tpu.wait_dma2 semaphore(%run_scoped3A : memref<!tpu.dma_semaphore, #tpu.memory_space<semaphore_mem>>) src(%dma_wait3A_74 : memref<640x128xf32, #tpu.memory_space<hbm>>) dst(%dma_wait3A_72 : memref<640x128xf32, #tpu.memory_space<vmem_shared>>)
      tpu.yield
    }) : () -> ()
    %barrier3A = arith.constant 0 : index
    tpu.barrier barrier_id(%barrier3A)
    %mul3A_5 = arith.constant 80 : i32
    %mul3A_6 = arith.muli %add3A, %mul3A_5 : i32
    %add3A_7 = arith.constant 0 : i32
    %add3A_8 = arith.addi %mul3A_6, %add3A_7 : i32
    "tpu.region"() ({
      %run_scoped3A = tpu.sem_alloc : memref<!tpu.dma_semaphore, #tpu.memory_space<semaphore_mem>>
      %dma_start3A_68 = arith.constant 0 : i32
      %dma_start3A_69 = tpu.memref_slice %arg3[%add3A_8, %dma_start3A_68] : memref<2560x128xi32, #tpu.memory_space<hbm>> -> memref<40x128xi32, #tpu.memory_space<hbm>>
      %dma_start3A_70 = arith.constant 0 : i32
      %dma_start3A_71 = tpu.memref_slice %arg3[%add3A_8, %dma_start3A_70] : memref<2560x128xi32, #tpu.memory_space<hbm>> -> memref<40x128xi32, #tpu.memory_space<hbm>>
      tpu.enqueue_dma source(%dma_start3A_71 : memref<40x128xi32, #tpu.memory_space<hbm>>) target(%arg7 : memref<40x128xi32, #tpu.memory_space<vmem>>) target_semaphore(%run_scoped3A : memref<!tpu.dma_semaphore, #tpu.memory_space<semaphore_mem>>)
      %dma_wait3A = arith.constant 0 : i32
      %dma_wait3A_72 = tpu.memref_slice %arg3[%add3A_8, %dma_wait3A] : memref<2560x128xi32, #tpu.memory_space<hbm>> -> memref<40x128xi32, #tpu.memory_space<hbm>>
      %dma_wait3A_73 = arith.constant 0 : i32
      %dma_wait3A_74 = tpu.memref_slice %arg3[%add3A_8, %dma_wait3A_73] : memref<2560x128xi32, #tpu.memory_space<hbm>> -> memref<40x128xi32, #tpu.memory_space<hbm>>
      tpu.wait_dma2 semaphore(%run_scoped3A : memref<!tpu.dma_semaphore, #tpu.memory_space<semaphore_mem>>) src(%dma_wait3A_74 : memref<40x128xi32, #tpu.memory_space<hbm>>) dst(%arg7 : memref<40x128xi32, #tpu.memory_space<vmem>>)
      tpu.yield
    }) : () -> ()
    "tpu.region"() ({
      %run_scoped3A = tpu.sem_alloc : memref<!tpu.dma_semaphore, #tpu.memory_space<semaphore_mem>>
      %dma_start3A_68 = arith.constant 0 : i32
      %dma_start3A_69 = tpu.memref_slice %arg4[%add3A_8, %dma_start3A_68] : memref<2560x128xi32, #tpu.memory_space<hbm>> -> memref<40x128xi32, #tpu.memory_space<hbm>>
      %dma_start3A_70 = arith.constant 0 : i32
      %dma_start3A_71 = tpu.memref_slice %arg4[%add3A_8, %dma_start3A_70] : memref<2560x128xi32, #tpu.memory_space<hbm>> -> memref<40x128xi32, #tpu.memory_space<hbm>>
      tpu.enqueue_dma source(%dma_start3A_71 : memref<40x128xi32, #tpu.memory_space<hbm>>) target(%arg8 : memref<40x128xi32, #tpu.memory_space<vmem>>) target_semaphore(%run_scoped3A : memref<!tpu.dma_semaphore, #tpu.memory_space<semaphore_mem>>)
      %dma_wait3A = arith.constant 0 : i32
      %dma_wait3A_72 = tpu.memref_slice %arg4[%add3A_8, %dma_wait3A] : memref<2560x128xi32, #tpu.memory_space<hbm>> -> memref<40x128xi32, #tpu.memory_space<hbm>>
      %dma_wait3A_73 = arith.constant 0 : i32
      %dma_wait3A_74 = tpu.memref_slice %arg4[%add3A_8, %dma_wait3A_73] : memref<2560x128xi32, #tpu.memory_space<hbm>> -> memref<40x128xi32, #tpu.memory_space<hbm>>
      tpu.wait_dma2 semaphore(%run_scoped3A : memref<!tpu.dma_semaphore, #tpu.memory_space<semaphore_mem>>) src(%dma_wait3A_74 : memref<40x128xi32, #tpu.memory_space<hbm>>) dst(%arg8 : memref<40x128xi32, #tpu.memory_space<vmem>>)
      tpu.yield
    }) : () -> ()
    %dma_start3A = arith.constant 0 : i32
    %dma_start3A_9 = arith.constant 0 : i32
    %dma_start3A_10 = arith.constant 0 : i32
    %dma_start3A_11 = tpu.memref_slice %arg9[%dma_start3A_9, %dma_start3A_10] : memref<256x128xf32, #tpu.memory_space<vmem>> -> memref<128x128xf32, #tpu.memory_space<vmem>>
    %dma_start3A_12 = arith.constant 0 : i32
    %dma_start3A_13 = tpu.memref_slice %arg7[%dma_start3A, %dma_start3A_12] : memref<40x128xi32, #tpu.memory_space<vmem>> -> memref<1x128xi32, #tpu.memory_space<vmem>>
    %dma_start3A_14 = tpu.memref_squeeze %dma_start3A_13 : memref<1x128xi32, #tpu.memory_space<vmem>> -> memref<128xi32, #tpu.memory_space<vmem>>
    %dma_start3A_15 = arith.constant 0 : i32
    %dma_start3A_16 = arith.constant 0 : i32
    %dma_start3A_17 = tpu.memref_slice %arg2[%dma_start3A_15, %dma_start3A_16] : memref<10240x128xf32, #tpu.memory_space<hbm>> -> memref<10240x128xf32, #tpu.memory_space<hbm>>
    tpu.enqueue_indirect_dma source(%dma_start3A_17 : memref<10240x128xf32, #tpu.memory_space<hbm>>) target(%dma_start3A_11 : memref<128x128xf32, #tpu.memory_space<vmem>>) offsets(%dma_start3A_14 : memref<128xi32, #tpu.memory_space<vmem>>) semaphore(%arg11 : memref<!tpu.dma_semaphore, #tpu.memory_space<semaphore_mem>>)
    %dma_start3A_18 = arith.constant 1 : i32
    %dma_start3A_19 = arith.constant 128 : i32
    %dma_start3A_20 = arith.constant 0 : i32
    %dma_start3A_21 = tpu.memref_slice %arg9[%dma_start3A_19, %dma_start3A_20] : memref<256x128xf32, #tpu.memory_space<vmem>> -> memref<128x128xf32, #tpu.memory_space<vmem>>
    %dma_start3A_22 = arith.constant 0 : i32
    %dma_start3A_23 = tpu.memref_slice %arg7[%dma_start3A_18, %dma_start3A_22] : memref<40x128xi32, #tpu.memory_space<vmem>> -> memref<1x128xi32, #tpu.memory_space<vmem>>
    %dma_start3A_24 = tpu.memref_squeeze %dma_start3A_23 : memref<1x128xi32, #tpu.memory_space<vmem>> -> memref<128xi32, #tpu.memory_space<vmem>>
    %dma_start3A_25 = arith.constant 0 : i32
    %dma_start3A_26 = arith.constant 0 : i32
    %dma_start3A_27 = tpu.memref_slice %arg2[%dma_start3A_25, %dma_start3A_26] : memref<10240x128xf32, #tpu.memory_space<hbm>> -> memref<10240x128xf32, #tpu.memory_space<hbm>>
    tpu.enqueue_indirect_dma source(%dma_start3A_27 : memref<10240x128xf32, #tpu.memory_space<hbm>>) target(%dma_start3A_21 : memref<128x128xf32, #tpu.memory_space<vmem>>) offsets(%dma_start3A_24 : memref<128xi32, #tpu.memory_space<vmem>>) semaphore(%arg11 : memref<!tpu.dma_semaphore, #tpu.memory_space<semaphore_mem>>)
    %scan3A = arith.constant 0 : i32
    %scan3A_28 = arith.constant 0 : i32
    %scan3A_29 = arith.constant 40 : i32
    %scan3A_30 = arith.addi %scan3A_28, %scan3A_29 : i32
    %scan3A_31 = arith.constant 1 : i32
    scf.for %scan3A_68 = %scan3A_28 to %scan3A_30 step %scan3A_31  : i32 {
      %rem3A = arith.constant 2 : i32
      %rem3A_69 = arith.remsi %scan3A_68, %rem3A : i32
      %mul3A_70 = arith.constant 128 : i32
      %mul3A_71 = arith.muli %rem3A_69, %mul3A_70 : i32
      %dma_wait3A = arith.constant 0 : i32
      %dma_wait3A_72 = tpu.memref_slice %arg9[%mul3A_71, %dma_wait3A] : memref<256x128xf32, #tpu.memory_space<vmem>> -> memref<128x128xf32, #tpu.memory_space<vmem>>
      %dma_wait3A_73 = arith.constant 0 : i32
      %dma_wait3A_74 = tpu.memref_slice %arg7[%scan3A_68, %dma_wait3A_73] : memref<40x128xi32, #tpu.memory_space<vmem>> -> memref<1x128xi32, #tpu.memory_space<vmem>>
      %dma_wait3A_75 = tpu.memref_squeeze %dma_wait3A_74 : memref<1x128xi32, #tpu.memory_space<vmem>> -> memref<128xi32, #tpu.memory_space<vmem>>
      %dma_wait3A_76 = arith.constant 0 : i32
      %dma_wait3A_77 = arith.constant 0 : i32
      %dma_wait3A_78 = tpu.memref_slice %arg2[%dma_wait3A_76, %dma_wait3A_77] : memref<10240x128xf32, #tpu.memory_space<hbm>> -> memref<10240x128xf32, #tpu.memory_space<hbm>>
      tpu.wait_indirect_dma semaphore(%arg11 : memref<!tpu.dma_semaphore, #tpu.memory_space<semaphore_mem>>) src(%dma_wait3A_78 : memref<10240x128xf32, #tpu.memory_space<hbm>>) dst(%dma_wait3A_72 : memref<128x128xf32, #tpu.memory_space<vmem>>)
      %dma_start3A_79 = arith.constant 0 : i32
      %dma_start3A_80 = tpu.memref_slice %arg9[%mul3A_71, %dma_start3A_79] : memref<256x128xf32, #tpu.memory_space<vmem>> -> memref<128x128xf32, #tpu.memory_space<vmem>>
      %dma_start3A_81 = arith.constant 0 : i32
      %dma_start3A_82 = tpu.memref_slice %arg8[%scan3A_68, %dma_start3A_81] : memref<40x128xi32, #tpu.memory_space<vmem>> -> memref<1x128xi32, #tpu.memory_space<vmem>>
      %dma_start3A_83 = tpu.memref_squeeze %dma_start3A_82 : memref<1x128xi32, #tpu.memory_space<vmem>> -> memref<128xi32, #tpu.memory_space<vmem>>
      %dma_start3A_84 = arith.constant 0 : i32
      %dma_start3A_85 = arith.constant 0 : i32
      %dma_start3A_86 = tpu.memref_slice %arg10[%dma_start3A_84, %dma_start3A_85] : memref<10240x128xf32, #tpu.memory_space<vmem_shared>> -> memref<10240x128xf32, #tpu.memory_space<vmem_shared>>
      tpu.enqueue_indirect_dma source(%dma_start3A_80 : memref<128x128xf32, #tpu.memory_space<vmem>>) target(%dma_start3A_86 : memref<10240x128xf32, #tpu.memory_space<vmem_shared>>) offsets(%dma_start3A_83 : memref<128xi32, #tpu.memory_space<vmem>>) semaphore(%arg12 : memref<!tpu.dma_semaphore, #tpu.memory_space<semaphore_mem>>) {add = true}
      %dma_wait3A_87 = arith.constant 0 : i32
      %dma_wait3A_88 = tpu.memref_slice %arg9[%mul3A_71, %dma_wait3A_87] : memref<256x128xf32, #tpu.memory_space<vmem>> -> memref<128x128xf32, #tpu.memory_space<vmem>>
      %dma_wait3A_89 = arith.constant 0 : i32
      %dma_wait3A_90 = tpu.memref_slice %arg8[%scan3A_68, %dma_wait3A_89] : memref<40x128xi32, #tpu.memory_space<vmem>> -> memref<1x128xi32, #tpu.memory_space<vmem>>
      %dma_wait3A_91 = tpu.memref_squeeze %dma_wait3A_90 : memref<1x128xi32, #tpu.memory_space<vmem>> -> memref<128xi32, #tpu.memory_space<vmem>>
      %dma_wait3A_92 = arith.constant 0 : i32
      %dma_wait3A_93 = arith.constant 0 : i32
      %dma_wait3A_94 = tpu.memref_slice %arg10[%dma_wait3A_92, %dma_wait3A_93] : memref<10240x128xf32, #tpu.memory_space<vmem_shared>> -> memref<10240x128xf32, #tpu.memory_space<vmem_shared>>
      tpu.wait_indirect_dma semaphore(%arg12 : memref<!tpu.dma_semaphore, #tpu.memory_space<semaphore_mem>>) src(%dma_wait3A_88 : memref<128x128xf32, #tpu.memory_space<vmem>>) dst(%dma_wait3A_94 : memref<10240x128xf32, #tpu.memory_space<vmem_shared>>)
      %add3A_95 = arith.constant 2 : i32
      %add3A_96 = arith.addi %scan3A_68, %add3A_95 : i32
      %lt3A = arith.constant 40 : i32
      %lt3A_97 = arith.cmpi slt, %add3A_96, %lt3A : i32
      %convert_element_type3A = arith.extui %lt3A_97 : i1 to i32
      %cond3A = arith.constant 0 : i32
      %cond3A_98 = arith.cmpi ne, %convert_element_type3A, %cond3A : i32
      scf.if %cond3A_98 {
        %add3A_99 = arith.constant 2 : i32
        %add3A_100 = arith.addi %scan3A_68, %add3A_99 : i32
        %dma_start3A_101 = arith.constant 0 : i32
        %dma_start3A_102 = tpu.memref_slice %arg9[%mul3A_71, %dma_start3A_101] : memref<256x128xf32, #tpu.memory_space<vmem>> -> memref<128x128xf32, #tpu.memory_space<vmem>>
        %dma_start3A_103 = arith.constant 0 : i32
        %dma_start3A_104 = tpu.memref_slice %arg7[%add3A_100, %dma_start3A_103] : memref<40x128xi32, #tpu.memory_space<vmem>> -> memref<1x128xi32, #tpu.memory_space<vmem>>
        %dma_start3A_105 = tpu.memref_squeeze %dma_start3A_104 : memref<1x128xi32, #tpu.memory_space<vmem>> -> memref<128xi32, #tpu.memory_space<vmem>>
        %dma_start3A_106 = arith.constant 0 : i32
        %dma_start3A_107 = arith.constant 0 : i32
        %dma_start3A_108 = tpu.memref_slice %arg2[%dma_start3A_106, %dma_start3A_107] : memref<10240x128xf32, #tpu.memory_space<hbm>> -> memref<10240x128xf32, #tpu.memory_space<hbm>>
        tpu.enqueue_indirect_dma source(%dma_start3A_108 : memref<10240x128xf32, #tpu.memory_space<hbm>>) target(%dma_start3A_102 : memref<128x128xf32, #tpu.memory_space<vmem>>) offsets(%dma_start3A_105 : memref<128xi32, #tpu.memory_space<vmem>>) semaphore(%arg11 : memref<!tpu.dma_semaphore, #tpu.memory_space<semaphore_mem>>)
      } else {
      }
    }
    %scan3A_32 = arith.constant 40 : i32
    %mul3A_33 = arith.constant 80 : i32
    %mul3A_34 = arith.muli %add3A, %mul3A_33 : i32
    %add3A_35 = arith.constant 40 : i32
    %add3A_36 = arith.addi %mul3A_34, %add3A_35 : i32
    "tpu.region"() ({
      %run_scoped3A = tpu.sem_alloc : memref<!tpu.dma_semaphore, #tpu.memory_space<semaphore_mem>>
      %dma_start3A_68 = arith.constant 0 : i32
      %dma_start3A_69 = tpu.memref_slice %arg3[%add3A_36, %dma_start3A_68] : memref<2560x128xi32, #tpu.memory_space<hbm>> -> memref<40x128xi32, #tpu.memory_space<hbm>>
      %dma_start3A_70 = arith.constant 0 : i32
      %dma_start3A_71 = tpu.memref_slice %arg3[%add3A_36, %dma_start3A_70] : memref<2560x128xi32, #tpu.memory_space<hbm>> -> memref<40x128xi32, #tpu.memory_space<hbm>>
      tpu.enqueue_dma source(%dma_start3A_71 : memref<40x128xi32, #tpu.memory_space<hbm>>) target(%arg7 : memref<40x128xi32, #tpu.memory_space<vmem>>) target_semaphore(%run_scoped3A : memref<!tpu.dma_semaphore, #tpu.memory_space<semaphore_mem>>)
      %dma_wait3A = arith.constant 0 : i32
      %dma_wait3A_72 = tpu.memref_slice %arg3[%add3A_36, %dma_wait3A] : memref<2560x128xi32, #tpu.memory_space<hbm>> -> memref<40x128xi32, #tpu.memory_space<hbm>>
      %dma_wait3A_73 = arith.constant 0 : i32
      %dma_wait3A_74 = tpu.memref_slice %arg3[%add3A_36, %dma_wait3A_73] : memref<2560x128xi32, #tpu.memory_space<hbm>> -> memref<40x128xi32, #tpu.memory_space<hbm>>
      tpu.wait_dma2 semaphore(%run_scoped3A : memref<!tpu.dma_semaphore, #tpu.memory_space<semaphore_mem>>) src(%dma_wait3A_74 : memref<40x128xi32, #tpu.memory_space<hbm>>) dst(%arg7 : memref<40x128xi32, #tpu.memory_space<vmem>>)
      tpu.yield
    }) : () -> ()
    "tpu.region"() ({
      %run_scoped3A = tpu.sem_alloc : memref<!tpu.dma_semaphore, #tpu.memory_space<semaphore_mem>>
      %dma_start3A_68 = arith.constant 0 : i32
      %dma_start3A_69 = tpu.memref_slice %arg4[%add3A_36, %dma_start3A_68] : memref<2560x128xi32, #tpu.memory_space<hbm>> -> memref<40x128xi32, #tpu.memory_space<hbm>>
      %dma_start3A_70 = arith.constant 0 : i32
      %dma_start3A_71 = tpu.memref_slice %arg4[%add3A_36, %dma_start3A_70] : memref<2560x128xi32, #tpu.memory_space<hbm>> -> memref<40x128xi32, #tpu.memory_space<hbm>>
      tpu.enqueue_dma source(%dma_start3A_71 : memref<40x128xi32, #tpu.memory_space<hbm>>) target(%arg8 : memref<40x128xi32, #tpu.memory_space<vmem>>) target_semaphore(%run_scoped3A : memref<!tpu.dma_semaphore, #tpu.memory_space<semaphore_mem>>)
      %dma_wait3A = arith.constant 0 : i32
      %dma_wait3A_72 = tpu.memref_slice %arg4[%add3A_36, %dma_wait3A] : memref<2560x128xi32, #tpu.memory_space<hbm>> -> memref<40x128xi32, #tpu.memory_space<hbm>>
      %dma_wait3A_73 = arith.constant 0 : i32
      %dma_wait3A_74 = tpu.memref_slice %arg4[%add3A_36, %dma_wait3A_73] : memref<2560x128xi32, #tpu.memory_space<hbm>> -> memref<40x128xi32, #tpu.memory_space<hbm>>
      tpu.wait_dma2 semaphore(%run_scoped3A : memref<!tpu.dma_semaphore, #tpu.memory_space<semaphore_mem>>) src(%dma_wait3A_74 : memref<40x128xi32, #tpu.memory_space<hbm>>) dst(%arg8 : memref<40x128xi32, #tpu.memory_space<vmem>>)
      tpu.yield
    }) : () -> ()
    %dma_start3A_37 = arith.constant 0 : i32
    %dma_start3A_38 = arith.constant 0 : i32
    %dma_start3A_39 = arith.constant 0 : i32
    %dma_start3A_40 = tpu.memref_slice %arg9[%dma_start3A_38, %dma_start3A_39] : memref<256x128xf32, #tpu.memory_space<vmem>> -> memref<128x128xf32, #tpu.memory_space<vmem>>
    %dma_start3A_41 = arith.constant 0 : i32
    %dma_start3A_42 = tpu.memref_slice %arg7[%dma_start3A_37, %dma_start3A_41] : memref<40x128xi32, #tpu.memory_space<vmem>> -> memref<1x128xi32, #tpu.memory_space<vmem>>
    %dma_start3A_43 = tpu.memref_squeeze %dma_start3A_42 : memref<1x128xi32, #tpu.memory_space<vmem>> -> memref<128xi32, #tpu.memory_space<vmem>>
    %dma_start3A_44 = arith.constant 0 : i32
    %dma_start3A_45 = arith.constant 0 : i32
    %dma_start3A_46 = tpu.memref_slice %arg2[%dma_start3A_44, %dma_start3A_45] : memref<10240x128xf32, #tpu.memory_space<hbm>> -> memref<10240x128xf32, #tpu.memory_space<hbm>>
    tpu.enqueue_indirect_dma source(%dma_start3A_46 : memref<10240x128xf32, #tpu.memory_space<hbm>>) target(%dma_start3A_40 : memref<128x128xf32, #tpu.memory_space<vmem>>) offsets(%dma_start3A_43 : memref<128xi32, #tpu.memory_space<vmem>>) semaphore(%arg11 : memref<!tpu.dma_semaphore, #tpu.memory_space<semaphore_mem>>)
    %dma_start3A_47 = arith.constant 1 : i32
    %dma_start3A_48 = arith.constant 128 : i32
    %dma_start3A_49 = arith.constant 0 : i32
    %dma_start3A_50 = tpu.memref_slice %arg9[%dma_start3A_48, %dma_start3A_49] : memref<256x128xf32, #tpu.memory_space<vmem>> -> memref<128x128xf32, #tpu.memory_space<vmem>>
    %dma_start3A_51 = arith.constant 0 : i32
    %dma_start3A_52 = tpu.memref_slice %arg7[%dma_start3A_47, %dma_start3A_51] : memref<40x128xi32, #tpu.memory_space<vmem>> -> memref<1x128xi32, #tpu.memory_space<vmem>>
    %dma_start3A_53 = tpu.memref_squeeze %dma_start3A_52 : memref<1x128xi32, #tpu.memory_space<vmem>> -> memref<128xi32, #tpu.memory_space<vmem>>
    %dma_start3A_54 = arith.constant 0 : i32
    %dma_start3A_55 = arith.constant 0 : i32
    %dma_start3A_56 = tpu.memref_slice %arg2[%dma_start3A_54, %dma_start3A_55] : memref<10240x128xf32, #tpu.memory_space<hbm>> -> memref<10240x128xf32, #tpu.memory_space<hbm>>
    tpu.enqueue_indirect_dma source(%dma_start3A_56 : memref<10240x128xf32, #tpu.memory_space<hbm>>) target(%dma_start3A_50 : memref<128x128xf32, #tpu.memory_space<vmem>>) offsets(%dma_start3A_53 : memref<128xi32, #tpu.memory_space<vmem>>) semaphore(%arg11 : memref<!tpu.dma_semaphore, #tpu.memory_space<semaphore_mem>>)
    %scan3A_57 = arith.constant 0 : i32
    %scan3A_58 = arith.constant 0 : i32
    %scan3A_59 = arith.constant 40 : i32
    %scan3A_60 = arith.addi %scan3A_58, %scan3A_59 : i32
    %scan3A_61 = arith.constant 1 : i32
    scf.for %scan3A_68 = %scan3A_58 to %scan3A_60 step %scan3A_61  : i32 {
      %rem3A = arith.constant 2 : i32
      %rem3A_69 = arith.remsi %scan3A_68, %rem3A : i32
      %mul3A_70 = arith.constant 128 : i32
      %mul3A_71 = arith.muli %rem3A_69, %mul3A_70 : i32
      %dma_wait3A = arith.constant 0 : i32
      %dma_wait3A_72 = tpu.memref_slice %arg9[%mul3A_71, %dma_wait3A] : memref<256x128xf32, #tpu.memory_space<vmem>> -> memref<128x128xf32, #tpu.memory_space<vmem>>
      %dma_wait3A_73 = arith.constant 0 : i32
      %dma_wait3A_74 = tpu.memref_slice %arg7[%scan3A_68, %dma_wait3A_73] : memref<40x128xi32, #tpu.memory_space<vmem>> -> memref<1x128xi32, #tpu.memory_space<vmem>>
      %dma_wait3A_75 = tpu.memref_squeeze %dma_wait3A_74 : memref<1x128xi32, #tpu.memory_space<vmem>> -> memref<128xi32, #tpu.memory_space<vmem>>
      %dma_wait3A_76 = arith.constant 0 : i32
      %dma_wait3A_77 = arith.constant 0 : i32
      %dma_wait3A_78 = tpu.memref_slice %arg2[%dma_wait3A_76, %dma_wait3A_77] : memref<10240x128xf32, #tpu.memory_space<hbm>> -> memref<10240x128xf32, #tpu.memory_space<hbm>>
      tpu.wait_indirect_dma semaphore(%arg11 : memref<!tpu.dma_semaphore, #tpu.memory_space<semaphore_mem>>) src(%dma_wait3A_78 : memref<10240x128xf32, #tpu.memory_space<hbm>>) dst(%dma_wait3A_72 : memref<128x128xf32, #tpu.memory_space<vmem>>)
      %dma_start3A_79 = arith.constant 0 : i32
      %dma_start3A_80 = tpu.memref_slice %arg9[%mul3A_71, %dma_start3A_79] : memref<256x128xf32, #tpu.memory_space<vmem>> -> memref<128x128xf32, #tpu.memory_space<vmem>>
      %dma_start3A_81 = arith.constant 0 : i32
      %dma_start3A_82 = tpu.memref_slice %arg8[%scan3A_68, %dma_start3A_81] : memref<40x128xi32, #tpu.memory_space<vmem>> -> memref<1x128xi32, #tpu.memory_space<vmem>>
      %dma_start3A_83 = tpu.memref_squeeze %dma_start3A_82 : memref<1x128xi32, #tpu.memory_space<vmem>> -> memref<128xi32, #tpu.memory_space<vmem>>
      %dma_start3A_84 = arith.constant 0 : i32
      %dma_start3A_85 = arith.constant 0 : i32
      %dma_start3A_86 = tpu.memref_slice %arg10[%dma_start3A_84, %dma_start3A_85] : memref<10240x128xf32, #tpu.memory_space<vmem_shared>> -> memref<10240x128xf32, #tpu.memory_space<vmem_shared>>
      tpu.enqueue_indirect_dma source(%dma_start3A_80 : memref<128x128xf32, #tpu.memory_space<vmem>>) target(%dma_start3A_86 : memref<10240x128xf32, #tpu.memory_space<vmem_shared>>) offsets(%dma_start3A_83 : memref<128xi32, #tpu.memory_space<vmem>>) semaphore(%arg12 : memref<!tpu.dma_semaphore, #tpu.memory_space<semaphore_mem>>) {add = true}
      %dma_wait3A_87 = arith.constant 0 : i32
      %dma_wait3A_88 = tpu.memref_slice %arg9[%mul3A_71, %dma_wait3A_87] : memref<256x128xf32, #tpu.memory_space<vmem>> -> memref<128x128xf32, #tpu.memory_space<vmem>>
      %dma_wait3A_89 = arith.constant 0 : i32
      %dma_wait3A_90 = tpu.memref_slice %arg8[%scan3A_68, %dma_wait3A_89] : memref<40x128xi32, #tpu.memory_space<vmem>> -> memref<1x128xi32, #tpu.memory_space<vmem>>
      %dma_wait3A_91 = tpu.memref_squeeze %dma_wait3A_90 : memref<1x128xi32, #tpu.memory_space<vmem>> -> memref<128xi32, #tpu.memory_space<vmem>>
      %dma_wait3A_92 = arith.constant 0 : i32
      %dma_wait3A_93 = arith.constant 0 : i32
      %dma_wait3A_94 = tpu.memref_slice %arg10[%dma_wait3A_92, %dma_wait3A_93] : memref<10240x128xf32, #tpu.memory_space<vmem_shared>> -> memref<10240x128xf32, #tpu.memory_space<vmem_shared>>
      tpu.wait_indirect_dma semaphore(%arg12 : memref<!tpu.dma_semaphore, #tpu.memory_space<semaphore_mem>>) src(%dma_wait3A_88 : memref<128x128xf32, #tpu.memory_space<vmem>>) dst(%dma_wait3A_94 : memref<10240x128xf32, #tpu.memory_space<vmem_shared>>)
      %add3A_95 = arith.constant 2 : i32
      %add3A_96 = arith.addi %scan3A_68, %add3A_95 : i32
      %lt3A = arith.constant 40 : i32
      %lt3A_97 = arith.cmpi slt, %add3A_96, %lt3A : i32
      %convert_element_type3A = arith.extui %lt3A_97 : i1 to i32
      %cond3A = arith.constant 0 : i32
      %cond3A_98 = arith.cmpi ne, %convert_element_type3A, %cond3A : i32
      scf.if %cond3A_98 {
        %add3A_99 = arith.constant 2 : i32
        %add3A_100 = arith.addi %scan3A_68, %add3A_99 : i32
        %dma_start3A_101 = arith.constant 0 : i32
        %dma_start3A_102 = tpu.memref_slice %arg9[%mul3A_71, %dma_start3A_101] : memref<256x128xf32, #tpu.memory_space<vmem>> -> memref<128x128xf32, #tpu.memory_space<vmem>>
        %dma_start3A_103 = arith.constant 0 : i32
        %dma_start3A_104 = tpu.memref_slice %arg7[%add3A_100, %dma_start3A_103] : memref<40x128xi32, #tpu.memory_space<vmem>> -> memref<1x128xi32, #tpu.memory_space<vmem>>
        %dma_start3A_105 = tpu.memref_squeeze %dma_start3A_104 : memref<1x128xi32, #tpu.memory_space<vmem>> -> memref<128xi32, #tpu.memory_space<vmem>>
        %dma_start3A_106 = arith.constant 0 : i32
        %dma_start3A_107 = arith.constant 0 : i32
        %dma_start3A_108 = tpu.memref_slice %arg2[%dma_start3A_106, %dma_start3A_107] : memref<10240x128xf32, #tpu.memory_space<hbm>> -> memref<10240x128xf32, #tpu.memory_space<hbm>>
        tpu.enqueue_indirect_dma source(%dma_start3A_108 : memref<10240x128xf32, #tpu.memory_space<hbm>>) target(%dma_start3A_102 : memref<128x128xf32, #tpu.memory_space<vmem>>) offsets(%dma_start3A_105 : memref<128xi32, #tpu.memory_space<vmem>>) semaphore(%arg11 : memref<!tpu.dma_semaphore, #tpu.memory_space<semaphore_mem>>)
      } else {
      }
    }
    %scan3A_62 = arith.constant 40 : i32
    %barrier3A_63 = arith.constant 0 : index
    tpu.barrier barrier_id(%barrier3A_63)
    %mul3A_64 = arith.constant 640 : i32
    %mul3A_65 = arith.muli %arg1, %mul3A_64 : i32
    %mul3A_66 = arith.constant 640 : i32
    %mul3A_67 = arith.muli %arg1, %mul3A_66 : i32
    "tpu.region"() ({
      %run_scoped3A = tpu.sem_alloc : memref<!tpu.dma_semaphore, #tpu.memory_space<semaphore_mem>>
      %dma_start3A_68 = arith.constant 0 : i32
      %dma_start3A_69 = tpu.memref_slice %arg6[%arg0, %mul3A_67, %dma_start3A_68] : memref<2x10240x128xf32, #tpu.memory_space<hbm>> -> memref<1x640x128xf32, #tpu.memory_space<hbm>>
      %dma_start3A_70 = tpu.memref_squeeze %dma_start3A_69 : memref<1x640x128xf32, #tpu.memory_space<hbm>> -> memref<640x128xf32, #tpu.memory_space<hbm>>
      %dma_start3A_71 = arith.constant 0 : i32
      %dma_start3A_72 = tpu.memref_slice %arg10[%mul3A_65, %dma_start3A_71] : memref<10240x128xf32, #tpu.memory_space<vmem_shared>> -> memref<640x128xf32, #tpu.memory_space<vmem_shared>>
      tpu.enqueue_dma source(%dma_start3A_72 : memref<640x128xf32, #tpu.memory_space<vmem_shared>>) target(%dma_start3A_70 : memref<640x128xf32, #tpu.memory_space<hbm>>) target_semaphore(%run_scoped3A : memref<!tpu.dma_semaphore, #tpu.memory_space<semaphore_mem>>)
      %dma_wait3A = arith.constant 0 : i32
      %dma_wait3A_73 = tpu.memref_slice %arg6[%arg0, %mul3A_67, %dma_wait3A] : memref<2x10240x128xf32, #tpu.memory_space<hbm>> -> memref<1x640x128xf32, #tpu.memory_space<hbm>>
      %dma_wait3A_74 = tpu.memref_squeeze %dma_wait3A_73 : memref<1x640x128xf32, #tpu.memory_space<hbm>> -> memref<640x128xf32, #tpu.memory_space<hbm>>
      %dma_wait3A_75 = arith.constant 0 : i32
      %dma_wait3A_76 = tpu.memref_slice %arg10[%mul3A_65, %dma_wait3A_75] : memref<10240x128xf32, #tpu.memory_space<vmem_shared>> -> memref<640x128xf32, #tpu.memory_space<vmem_shared>>
      tpu.wait_dma2 semaphore(%run_scoped3A : memref<!tpu.dma_semaphore, #tpu.memory_space<semaphore_mem>>) src(%dma_wait3A_76 : memref<640x128xf32, #tpu.memory_space<vmem_shared>>) dst(%dma_wait3A_74 : memref<640x128xf32, #tpu.memory_space<hbm>>)
      tpu.yield
    }) : () -> ()
    return
  }
}

module attributes {stable_mosaic.version = 14 : i64} {
  func.func @_tc_first_body(%arg0: i32, %arg1: memref<1024x128xf32, #tpu.memory_space<vmem>>, %arg2: memref<2x1024x128xf32, #tpu.memory_space<vmem>>, %arg3: memref<128x128xf32, #tpu.memory_space<vmem>>, %arg4: memref<1024x128xf32, #tpu.memory_space<vmem>>) attributes {dimension_semantics = [#tpu.dimension_semantics<arbitrary>], iteration_bounds = array<i64: 10>, scalar_prefetch = 0 : i64, scratch_operands = 0 : i64, tpu.core_type = #tpu.core_type<tc>, window_params = [{transform_indices = @transform_0, window_bounds = array<i64: 1024, 128>}, {transform_indices = @transform_1, window_bounds = array<i64: 2, 1024, 128>}, {pipeline_mode = #tpu.pipeline_mode<synchronous>, transform_indices = @transform_2, window_bounds = array<i64: 128, 128>}, {transform_indices = @transform_3, window_bounds = array<i64: 1024, 128>}]} {
    %get3A = arith.constant 0 : index
    %get3A_0 = arith.constant 0 : index
    %get3A_1 = arith.constant 0 : index
    %get3A_2 = vector.load %arg2[%get3A, %get3A_0, %get3A_1] : memref<2x1024x128xf32, #tpu.memory_space<vmem>>, vector<1x1024x1xf32>
    %get3A_3 = vector.shape_cast %get3A_2 : vector<1x1024x1xf32> to vector<1024x1xf32>
    %get3A_4 = arith.constant 1 : index
    %get3A_5 = arith.constant 0 : index
    %get3A_6 = arith.constant 0 : index
    %get3A_7 = vector.load %arg2[%get3A_4, %get3A_5, %get3A_6] : memref<2x1024x128xf32, #tpu.memory_space<vmem>>, vector<1x1024x1xf32>
    %get3A_8 = vector.shape_cast %get3A_7 : vector<1x1024x1xf32> to vector<1024x1xf32>
    %add3A = arith.addf %get3A_3, %get3A_8 : vector<1024x1xf32>
    %add3A_9 = arith.constant 1.000000e+00 : f32
    %add3A_10 = vector.broadcast %add3A_9 : f32 to vector<1024x1xf32>
    %add3A_11 = arith.addf %add3A, %add3A_10 : vector<1024x1xf32>
    %rsqrt3A = math.rsqrt %add3A_11 : vector<1024x1xf32>
    %get3A_12 = arith.constant 0 : index
    %get3A_13 = arith.constant 0 : index
    %get3A_14 = vector.load %arg1[%get3A_12, %get3A_13] : memref<1024x128xf32, #tpu.memory_space<vmem>>, vector<1024x128xf32>
    %get3A_15 = arith.constant 0 : index
    %get3A_16 = arith.constant 0 : index
    %get3A_17 = vector.load %arg3[%get3A_15, %get3A_16] : memref<128x128xf32, #tpu.memory_space<vmem>>, vector<128x128xf32>
    %dot_general3A = arith.constant dense<0.000000e+00> : vector<1024x128xf32>
    %dot_general3A_18 = tpu.matmul %get3A_14, %get3A_17, %dot_general3A {dimension_numbers = #tpu.dot_dimension_numbers<[1], [0], [0], [1], [0, 0, 1, 1], [], []>, transpose_lhs_hint = false} : vector<1024x128xf32>, vector<128x128xf32>, vector<1024x128xf32> -> vector<1024x128xf32>
    %mul3A = vector.broadcast %rsqrt3A : vector<1024x1xf32> to vector<1024x128xf32>
    %mul3A_19 = arith.mulf %dot_general3A_18, %mul3A : vector<1024x128xf32>
    %swap3A = arith.constant 0 : index
    %swap3A_20 = arith.constant 0 : index
    %swap3A_21 = vector.load %arg4[%swap3A, %swap3A_20] : memref<1024x128xf32, #tpu.memory_space<vmem>>, vector<1024x128xf32>
    tpu.vector_store %arg4[%swap3A, %swap3A_20], %mul3A_19 {strides = array<i32>} : memref<1024x128xf32, #tpu.memory_space<vmem>>, vector<1024x128xf32>,
    return
  }
  func.func @transform_0(%arg0: i32) -> (i32, i32) {
    %c0_i32 = arith.constant 0 : i32
    %c0_i32_0 = arith.constant 0 : i32
    return %arg0, %c0_i32 : i32, i32
  }
  func.func @transform_1(%arg0: i32) -> (i32, i32, i32) {
    %c0_i32 = arith.constant 0 : i32
    %c0_i32_0 = arith.constant 0 : i32
    %c0_i32_1 = arith.constant 0 : i32
    return %c0_i32, %arg0, %c0_i32_0 : i32, i32, i32
  }
  func.func @transform_2(%arg0: i32) -> (i32, i32) {
    %c0_i32 = arith.constant 0 : i32
    %c0_i32_0 = arith.constant 0 : i32
    %c0_i32_1 = arith.constant 0 : i32
    return %c0_i32, %c0_i32_0 : i32, i32
  }
  func.func @transform_3(%arg0: i32) -> (i32, i32) {
    %c0_i32 = arith.constant 0 : i32
    %c0_i32_0 = arith.constant 0 : i32
    return %arg0, %c0_i32 : i32, i32
  }
}

module attributes {stable_mosaic.version = 14 : i64} {
  func.func @_tc_mid_body(%arg0: i32, %arg1: memref<2x1024x128xf32, #tpu.memory_space<vmem>>, %arg2: memref<1024x128xf32, #tpu.memory_space<vmem>>, %arg3: memref<2x1024x128xf32, #tpu.memory_space<vmem>>, %arg4: memref<128x128xf32, #tpu.memory_space<vmem>>, %arg5: memref<1x128xf32, #tpu.memory_space<vmem>>, %arg6: memref<1x128xf32, #tpu.memory_space<vmem>>, %arg7: memref<1x128xf32, #tpu.memory_space<vmem>>, %arg8: memref<1024x128xf32, #tpu.memory_space<vmem>>) attributes {dimension_semantics = [#tpu.dimension_semantics<arbitrary>], iteration_bounds = array<i64: 10>, scalar_prefetch = 0 : i64, scratch_operands = 0 : i64, tpu.core_type = #tpu.core_type<tc>, window_params = [{transform_indices = @transform_0, window_bounds = array<i64: 2, 1024, 128>}, {transform_indices = @transform_1, window_bounds = array<i64: 1024, 128>}, {transform_indices = @transform_2, window_bounds = array<i64: 2, 1024, 128>}, {pipeline_mode = #tpu.pipeline_mode<synchronous>, transform_indices = @transform_3, window_bounds = array<i64: 128, 128>}, {pipeline_mode = #tpu.pipeline_mode<synchronous>, transform_indices = @transform_4, window_bounds = array<i64: 1, 128>}, {pipeline_mode = #tpu.pipeline_mode<synchronous>, transform_indices = @transform_5, window_bounds = array<i64: 1, 128>}, {pipeline_mode = #tpu.pipeline_mode<synchronous>, transform_indices = @transform_6, window_bounds = array<i64: 1, 128>}, {transform_indices = @transform_7, window_bounds = array<i64: 1024, 128>}]} {
    %get3A = arith.constant 0 : index
    %get3A_0 = arith.constant 0 : index
    %get3A_1 = arith.constant 0 : index
    %get3A_2 = vector.load %arg3[%get3A, %get3A_0, %get3A_1] : memref<2x1024x128xf32, #tpu.memory_space<vmem>>, vector<1x1024x1xf32>
    %get3A_3 = vector.shape_cast %get3A_2 : vector<1x1024x1xf32> to vector<1024x1xf32>
    %get3A_4 = arith.constant 1 : index
    %get3A_5 = arith.constant 0 : index
    %get3A_6 = arith.constant 0 : index
    %get3A_7 = vector.load %arg3[%get3A_4, %get3A_5, %get3A_6] : memref<2x1024x128xf32, #tpu.memory_space<vmem>>, vector<1x1024x1xf32>
    %get3A_8 = vector.shape_cast %get3A_7 : vector<1x1024x1xf32> to vector<1024x1xf32>
    %add3A = arith.addf %get3A_3, %get3A_8 : vector<1024x1xf32>
    %add3A_9 = arith.constant 1.000000e+00 : f32
    %add3A_10 = vector.broadcast %add3A_9 : f32 to vector<1024x1xf32>
    %add3A_11 = arith.addf %add3A, %add3A_10 : vector<1024x1xf32>
    %rsqrt3A = math.rsqrt %add3A_11 : vector<1024x1xf32>
    %get3A_12 = arith.constant 0 : index
    %get3A_13 = arith.constant 0 : index
    %get3A_14 = arith.constant 0 : index
    %get3A_15 = vector.load %arg1[%get3A_12, %get3A_13, %get3A_14] : memref<2x1024x128xf32, #tpu.memory_space<vmem>>, vector<1x1024x128xf32>
    %get3A_16 = vector.shape_cast %get3A_15 : vector<1x1024x128xf32> to vector<1024x128xf32>
    %get3A_17 = arith.constant 1 : index
    %get3A_18 = arith.constant 0 : index
    %get3A_19 = arith.constant 0 : index
    %get3A_20 = vector.load %arg1[%get3A_17, %get3A_18, %get3A_19] : memref<2x1024x128xf32, #tpu.memory_space<vmem>>, vector<1x1024x128xf32>
    %get3A_21 = vector.shape_cast %get3A_20 : vector<1x1024x128xf32> to vector<1024x128xf32>
    %add3A_22 = arith.addf %get3A_16, %get3A_21 : vector<1024x128xf32>
    %get3A_23 = arith.constant 0 : index
    %get3A_24 = arith.constant 0 : index
    %get3A_25 = vector.load %arg2[%get3A_23, %get3A_24] : memref<1024x128xf32, #tpu.memory_space<vmem>>, vector<1024x128xf32>
    %add3A_26 = arith.addf %add3A_22, %get3A_25 : vector<1024x128xf32>
    %mul3A = vector.broadcast %rsqrt3A : vector<1024x1xf32> to vector<1024x128xf32>
    %mul3A_27 = arith.mulf %add3A_26, %mul3A : vector<1024x128xf32>
    %get3A_28 = arith.constant 0 : index
    %get3A_29 = arith.constant 0 : index
    %get3A_30 = vector.load %arg5[%get3A_28, %get3A_29] : memref<1x128xf32, #tpu.memory_space<vmem>>, vector<1x128xf32>
    %add3A_31 = vector.broadcast %get3A_30 : vector<1x128xf32> to vector<1024x128xf32>
    %add3A_32 = arith.addf %mul3A_27, %add3A_31 : vector<1024x128xf32>
    %get3A_33 = arith.constant 0 : index
    %get3A_34 = arith.constant 0 : index
    %get3A_35 = vector.load %arg6[%get3A_33, %get3A_34] : memref<1x128xf32, #tpu.memory_space<vmem>>, vector<1x128xf32>
    %mul3A_36 = arith.constant 0.999994993 : f32
    %mul3A_37 = vector.broadcast %mul3A_36 : f32 to vector<1x128xf32>
    %mul3A_38 = arith.mulf %get3A_35, %mul3A_37 : vector<1x128xf32>
    %mul3A_39 = vector.broadcast %mul3A_38 : vector<1x128xf32> to vector<1024x128xf32>
    %mul3A_40 = arith.mulf %add3A_32, %mul3A_39 : vector<1024x128xf32>
    %get3A_41 = arith.constant 0 : index
    %get3A_42 = arith.constant 0 : index
    %get3A_43 = vector.load %arg7[%get3A_41, %get3A_42] : memref<1x128xf32, #tpu.memory_space<vmem>>, vector<1x128xf32>
    %add3A_44 = vector.broadcast %get3A_43 : vector<1x128xf32> to vector<1024x128xf32>
    %add3A_45 = arith.addf %mul3A_40, %add3A_44 : vector<1024x128xf32>
    %max3A = arith.constant 0.000000e+00 : f32
    %max3A_46 = vector.broadcast %max3A : f32 to vector<1024x128xf32>
    %max3A_47 = arith.maximumf %add3A_45, %max3A_46 : vector<1024x128xf32>
    %get3A_48 = arith.constant 0 : index
    %get3A_49 = arith.constant 0 : index
    %get3A_50 = vector.load %arg4[%get3A_48, %get3A_49] : memref<128x128xf32, #tpu.memory_space<vmem>>, vector<128x128xf32>
    %dot_general3A = arith.constant dense<0.000000e+00> : vector<1024x128xf32>
    %dot_general3A_51 = tpu.matmul %max3A_47, %get3A_50, %dot_general3A {dimension_numbers = #tpu.dot_dimension_numbers<[1], [0], [0], [1], [0, 0, 1, 1], [], []>, transpose_lhs_hint = false} : vector<1024x128xf32>, vector<128x128xf32>, vector<1024x128xf32> -> vector<1024x128xf32>
    %mul3A_52 = vector.broadcast %rsqrt3A : vector<1024x1xf32> to vector<1024x128xf32>
    %mul3A_53 = arith.mulf %dot_general3A_51, %mul3A_52 : vector<1024x128xf32>
    %swap3A = arith.constant 0 : index
    %swap3A_54 = arith.constant 0 : index
    %swap3A_55 = vector.load %arg8[%swap3A, %swap3A_54] : memref<1024x128xf32, #tpu.memory_space<vmem>>, vector<1024x128xf32>
    tpu.vector_store %arg8[%swap3A, %swap3A_54], %mul3A_53 {strides = array<i32>} : memref<1024x128xf32, #tpu.memory_space<vmem>>, vector<1024x128xf32>,
    return
  }
  func.func @transform_0(%arg0: i32) -> (i32, i32, i32) {
    %c0_i32 = arith.constant 0 : i32
    %c0_i32_0 = arith.constant 0 : i32
    %c0_i32_1 = arith.constant 0 : i32
    return %c0_i32, %arg0, %c0_i32_0 : i32, i32, i32
  }
  func.func @transform_1(%arg0: i32) -> (i32, i32) {
    %c0_i32 = arith.constant 0 : i32
    %c0_i32_0 = arith.constant 0 : i32
    return %arg0, %c0_i32 : i32, i32
  }
  func.func @transform_2(%arg0: i32) -> (i32, i32, i32) {
    %c0_i32 = arith.constant 0 : i32
    %c0_i32_0 = arith.constant 0 : i32
    %c0_i32_1 = arith.constant 0 : i32
    return %c0_i32, %arg0, %c0_i32_0 : i32, i32, i32
  }
  func.func @transform_3(%arg0: i32) -> (i32, i32) {
    %c0_i32 = arith.constant 0 : i32
    %c0_i32_0 = arith.constant 0 : i32
    %c0_i32_1 = arith.constant 0 : i32
    return %c0_i32, %c0_i32_0 : i32, i32
  }
  func.func @transform_4(%arg0: i32) -> (i32, i32) {
    %c0_i32 = arith.constant 0 : i32
    %c0_i32_0 = arith.constant 0 : i32
    %c0_i32_1 = arith.constant 0 : i32
    return %c0_i32, %c0_i32_0 : i32, i32
  }
  func.func @transform_5(%arg0: i32) -> (i32, i32) {
    %c0_i32 = arith.constant 0 : i32
    %c0_i32_0 = arith.constant 0 : i32
    %c0_i32_1 = arith.constant 0 : i32
    return %c0_i32, %c0_i32_0 : i32, i32
  }
  func.func @transform_6(%arg0: i32) -> (i32, i32) {
    %c0_i32 = arith.constant 0 : i32
    %c0_i32_0 = arith.constant 0 : i32
    %c0_i32_1 = arith.constant 0 : i32
    return %c0_i32, %c0_i32_0 : i32, i32
  }
  func.func @transform_7(%arg0: i32) -> (i32, i32) {
    %c0_i32 = arith.constant 0 : i32
    %c0_i32_0 = arith.constant 0 : i32
    return %arg0, %c0_i32 : i32, i32
  }
}

module attributes {stable_mosaic.version = 14 : i64} {
  func.func @_tc_final_body(%arg0: i32, %arg1: memref<2x1024x128xf32, #tpu.memory_space<vmem>>, %arg2: memref<1024x128xf32, #tpu.memory_space<vmem>>, %arg3: memref<2x1024x128xf32, #tpu.memory_space<vmem>>, %arg4: memref<1x128xf32, #tpu.memory_space<vmem>>, %arg5: memref<1x128xf32, #tpu.memory_space<vmem>>, %arg6: memref<1x128xf32, #tpu.memory_space<vmem>>, %arg7: memref<1024x128xf32, #tpu.memory_space<vmem>>) attributes {dimension_semantics = [#tpu.dimension_semantics<arbitrary>], iteration_bounds = array<i64: 10>, scalar_prefetch = 0 : i64, scratch_operands = 0 : i64, tpu.core_type = #tpu.core_type<tc>, window_params = [{transform_indices = @transform_0, window_bounds = array<i64: 2, 1024, 128>}, {transform_indices = @transform_1, window_bounds = array<i64: 1024, 128>}, {transform_indices = @transform_2, window_bounds = array<i64: 2, 1024, 128>}, {pipeline_mode = #tpu.pipeline_mode<synchronous>, transform_indices = @transform_3, window_bounds = array<i64: 1, 128>}, {pipeline_mode = #tpu.pipeline_mode<synchronous>, transform_indices = @transform_4, window_bounds = array<i64: 1, 128>}, {pipeline_mode = #tpu.pipeline_mode<synchronous>, transform_indices = @transform_5, window_bounds = array<i64: 1, 128>}, {transform_indices = @transform_6, window_bounds = array<i64: 1024, 128>}]} {
    %get3A = arith.constant 0 : index
    %get3A_0 = arith.constant 0 : index
    %get3A_1 = arith.constant 0 : index
    %get3A_2 = vector.load %arg3[%get3A, %get3A_0, %get3A_1] : memref<2x1024x128xf32, #tpu.memory_space<vmem>>, vector<1x1024x1xf32>
    %get3A_3 = vector.shape_cast %get3A_2 : vector<1x1024x1xf32> to vector<1024x1xf32>
    %get3A_4 = arith.constant 1 : index
    %get3A_5 = arith.constant 0 : index
    %get3A_6 = arith.constant 0 : index
    %get3A_7 = vector.load %arg3[%get3A_4, %get3A_5, %get3A_6] : memref<2x1024x128xf32, #tpu.memory_space<vmem>>, vector<1x1024x1xf32>
    %get3A_8 = vector.shape_cast %get3A_7 : vector<1x1024x1xf32> to vector<1024x1xf32>
    %add3A = arith.addf %get3A_3, %get3A_8 : vector<1024x1xf32>
    %add3A_9 = arith.constant 1.000000e+00 : f32
    %add3A_10 = vector.broadcast %add3A_9 : f32 to vector<1024x1xf32>
    %add3A_11 = arith.addf %add3A, %add3A_10 : vector<1024x1xf32>
    %rsqrt3A = math.rsqrt %add3A_11 : vector<1024x1xf32>
    %get3A_12 = arith.constant 0 : index
    %get3A_13 = arith.constant 0 : index
    %get3A_14 = arith.constant 0 : index
    %get3A_15 = vector.load %arg1[%get3A_12, %get3A_13, %get3A_14] : memref<2x1024x128xf32, #tpu.memory_space<vmem>>, vector<1x1024x128xf32>
    %get3A_16 = vector.shape_cast %get3A_15 : vector<1x1024x128xf32> to vector<1024x128xf32>
    %get3A_17 = arith.constant 1 : index
    %get3A_18 = arith.constant 0 : index
    %get3A_19 = arith.constant 0 : index
    %get3A_20 = vector.load %arg1[%get3A_17, %get3A_18, %get3A_19] : memref<2x1024x128xf32, #tpu.memory_space<vmem>>, vector<1x1024x128xf32>
    %get3A_21 = vector.shape_cast %get3A_20 : vector<1x1024x128xf32> to vector<1024x128xf32>
    %add3A_22 = arith.addf %get3A_16, %get3A_21 : vector<1024x128xf32>
    %get3A_23 = arith.constant 0 : index
    %get3A_24 = arith.constant 0 : index
    %get3A_25 = vector.load %arg2[%get3A_23, %get3A_24] : memref<1024x128xf32, #tpu.memory_space<vmem>>, vector<1024x128xf32>
    %add3A_26 = arith.addf %add3A_22, %get3A_25 : vector<1024x128xf32>
    %mul3A = vector.broadcast %rsqrt3A : vector<1024x1xf32> to vector<1024x128xf32>
    %mul3A_27 = arith.mulf %add3A_26, %mul3A : vector<1024x128xf32>
    %get3A_28 = arith.constant 0 : index
    %get3A_29 = arith.constant 0 : index
    %get3A_30 = vector.load %arg4[%get3A_28, %get3A_29] : memref<1x128xf32, #tpu.memory_space<vmem>>, vector<1x128xf32>
    %add3A_31 = vector.broadcast %get3A_30 : vector<1x128xf32> to vector<1024x128xf32>
    %add3A_32 = arith.addf %mul3A_27, %add3A_31 : vector<1024x128xf32>
    %get3A_33 = arith.constant 0 : index
    %get3A_34 = arith.constant 0 : index
    %get3A_35 = vector.load %arg5[%get3A_33, %get3A_34] : memref<1x128xf32, #tpu.memory_space<vmem>>, vector<1x128xf32>
    %mul3A_36 = arith.constant 0.999994993 : f32
    %mul3A_37 = vector.broadcast %mul3A_36 : f32 to vector<1x128xf32>
    %mul3A_38 = arith.mulf %get3A_35, %mul3A_37 : vector<1x128xf32>
    %mul3A_39 = vector.broadcast %mul3A_38 : vector<1x128xf32> to vector<1024x128xf32>
    %mul3A_40 = arith.mulf %add3A_32, %mul3A_39 : vector<1024x128xf32>
    %get3A_41 = arith.constant 0 : index
    %get3A_42 = arith.constant 0 : index
    %get3A_43 = vector.load %arg6[%get3A_41, %get3A_42] : memref<1x128xf32, #tpu.memory_space<vmem>>, vector<1x128xf32>
    %add3A_44 = vector.broadcast %get3A_43 : vector<1x128xf32> to vector<1024x128xf32>
    %add3A_45 = arith.addf %mul3A_40, %add3A_44 : vector<1024x128xf32>
    %swap3A = arith.constant 0 : index
    %swap3A_46 = arith.constant 0 : index
    %swap3A_47 = vector.load %arg7[%swap3A, %swap3A_46] : memref<1024x128xf32, #tpu.memory_space<vmem>>, vector<1024x128xf32>
    tpu.vector_store %arg7[%swap3A, %swap3A_46], %add3A_45 {strides = array<i32>} : memref<1024x128xf32, #tpu.memory_space<vmem>>, vector<1024x128xf32>,
    return
  }
  func.func @transform_0(%arg0: i32) -> (i32, i32, i32) {
    %c0_i32 = arith.constant 0 : i32
    %c0_i32_0 = arith.constant 0 : i32
    %c0_i32_1 = arith.constant 0 : i32
    return %c0_i32, %arg0, %c0_i32_0 : i32, i32, i32
  }
  func.func @transform_1(%arg0: i32) -> (i32, i32) {
    %c0_i32 = arith.constant 0 : i32
    %c0_i32_0 = arith.constant 0 : i32
    return %arg0, %c0_i32 : i32, i32
  }
  func.func @transform_2(%arg0: i32) -> (i32, i32, i32) {
    %c0_i32 = arith.constant 0 : i32
    %c0_i32_0 = arith.constant 0 : i32
    %c0_i32_1 = arith.constant 0 : i32
    return %c0_i32, %arg0, %c0_i32_0 : i32, i32, i32
  }
  func.func @transform_3(%arg0: i32) -> (i32, i32) {
    %c0_i32 = arith.constant 0 : i32
    %c0_i32_0 = arith.constant 0 : i32
    %c0_i32_1 = arith.constant 0 : i32
    return %c0_i32, %c0_i32_0 : i32, i32
  }
  func.func @transform_4(%arg0: i32) -> (i32, i32) {
    %c0_i32 = arith.constant 0 : i32
    %c0_i32_0 = arith.constant 0 : i32
    %c0_i32_1 = arith.constant 0 : i32
    return %c0_i32, %c0_i32_0 : i32, i32
  }
  func.func @transform_5(%arg0: i32) -> (i32, i32) {
    %c0_i32 = arith.constant 0 : i32
    %c0_i32_0 = arith.constant 0 : i32
    %c0_i32_1 = arith.constant 0 : i32
    return %c0_i32, %c0_i32_0 : i32, i32
  }
  func.func @transform_6(%arg0: i32) -> (i32, i32) {
    %c0_i32 = arith.constant 0 : i32
    %c0_i32_0 = arith.constant 0 : i32
    return %arg0, %c0_i32 : i32, i32
  }
}

</mosaic_0001>

<sc_bundles>
// kernel: kernel.10.cloned.1.call-start
scs
__scs_entry_jumppad:
0x0: {  	(pc) =	sbr.rel $0x88, $3  }
0x1: {  	(tag) =	ssettag $0x0;
	lr =	simm.s32 $0x1  }
0x2: {  	[smem:$0x3F93] =	sst lr;
	_ =	strace $0xD0000000  }
0x3: {  	_ = 	snop  }
0x4: {  	_ = 	snop  }
0x5: {  	_ = 	snop  }
0x6: {  	_ = 	snop  }
0x7: {  	_ = 	snop  }
__scs_overlays_trampoline_lowered:
0x8: {  	[smem:$0x3FA2] =	sst s0  }
0x9: {  	[smem:$0x3FA3] =	sst s1  }
0xa: {  	[smem:$0x3FA4] =	sst s2  }
0xb: {  	[smem:$0x3FA5] =	sst s3  }
0xc: {  	[smem:$0x3FA6] =	sst s4  }
0xd: {  	[smem:$0x3FA7] =	sst s5  }
0xe: {  	[smem:$0x3FA8] =	sst s6  }
0xf: {  	[smem:$0x3FA9] =	sst s7  }
0x10: {  	[smem:$0x3FAA] =	sst s8  }
0x11: {  	[smem:$0x3FAB] =	sst s9;
	s0 =	simm.s32 @!p0 $0x0  }
0x12: {  	s1 =	sld [smem:$0x3F91];
	s0 =	simm.s32 @p0 $0x1  }
0x13: {  	[smem:$0x3FAC] =	sst s0;
	s0 =	simm.s32 @!p1 $0x0  }
0x14: {  	s2 =	sld [smem:$0x3F90];
	s0 =	simm.s32 @p1 $0x1  }
0x15: {  	[smem:$0x3FAD] =	sst s0;
	s0 =	simm.s32 @!p2 $0x0  }
0x16: {  	s3 =	sld [smem:$0x3FDB];
	s0 =	simm.s32 @p2 $0x1  }
0x17: {  	s4 =	simm.s32 $0x1BF5;
	[smem:$0x3FAF] =	sst s0  }
0x18: {  	s0 =	sld [smem:$0x3F92];
	_ =	swait.ge [sflag:s4], $0x0  }
0x19: {  	s7 =	sld [smem:$0x3F93]  }
0x1a: {  	s8 =	sadd.s32 $0xFFFFE003, lr  }
0x1b: {  	s9 =	sadd.s32 $0xFFFFFEF7, lr;
	s5 =	simm.s32 $0xFFFFFFFF;
	p2 =	slt.u32 s8, $0xFFFFF086  }
0x1c: {  	p1 =	slt.u32 s9, $0xF7A;
	s5 =	simm.s32 @!p2 $0x0  }
0x1d: {  	s5 =	simm.s32 @p1 $0x1;
	p0 =	seq.s32 s7, s2  }
0x1e: {  	s7 =	smul.u32 @!p0 $0xF7A, s2;
	p2 =	seq.s32 @!p0 s5, $0x0  }
0x1f: {  	s9 =	smul.u32 $0xF7A, s1;
	s8 =	simm.s32 @!p0 $0x1BF5;
	p2 =	por !p2, p0  }
0x20: {  	[sflag:s8] =	ssyncset.s32 @!p0 $0xFFFFF086;
	s6 =	sadd.s32 @!p0 s3, s7;
	s7 =	simm.s32 @!p0 $0x108  }
0x21: {  	s3 =	sadd.s32 s3, s9;
	s6 =	sadd.s32 @!p0 $0x88, s6;
	s7 =	simm.s32 @p2 $0x1082  }
0x22: {  	[simem:s7], [sflag:s8] =	dma.local @!p0 [hbm:s6], $0xF7A  }
0x23: {  	s9 =	sor.u32 $0xD0000000, s2;
	s6 =	simm.s32 $0x108;
	_ =	swait.ge @!p0 [sflag:s8], $0x0  }
0x24: {  	s3 =	sadd.s32 $0x88, s3;
	s6 =	simm.s32 @!p1 $0x1082;
	[sflag:s4] =	ssyncset.s32 $0xFFFFF086  }
0x25: {  	[simem:s6], [sflag:s4] =	dma.local [hbm:s3], $0xF7A  }
0x26: {  	[smem:$0x3F93] =	sst s1;
	(tag) =	ssettag s2;
	_ =	strace s9  }
0x27: {  	s1 =	sld [smem:$0x3FA3]  }
0x28: {  	s2 =	sld [smem:$0x3FA4]  }
0x29: {  	s4 =	sld [smem:$0x3FA6]  }
0x2a: {  	p0 =	seq.s32 s5, $0x0;
	s5 =	sld [smem:$0x3FA7]  }
0x2b: {  	s6 =	sld [smem:$0x3FA8]  }
0x2c: {  	s7 =	sld [smem:$0x3FA9]  }
0x2d: {  	s3 =	simm.s32 $0x108;
	s8 =	sld [smem:$0x3FAA]  }
0x2e: {  	s3 =	simm.s32 @!p0 $0x1082;
	s9 =	sld [smem:$0x3FAB]  }
0x2f: {  	lr =	sadd.s32 s0, s3;
	s0 =	sld [smem:$0x3FA2]  }
0x30: {  	s3 =	sld [smem:$0x3FA5]  }
0x31: {  	[smem:$0x3FAE] =	sst s10  }
0x32: {  	s10 =	sld [smem:$0x3FAC];
	_ =	sdelay $0x3  }
0x33: {  	p0 =	seq.s32 s10, $0x1;
	s10 =	sld [smem:$0x3FAE];
	_ =	sdelay $0x3  }
0x34: {  	[smem:$0x3FAE] =	sst s10  }
0x35: {  	s10 =	sld [smem:$0x3FAD];
	_ =	sdelay $0x3  }
0x36: {  	p1 =	seq.s32 s10, $0x1;
	s10 =	sld [smem:$0x3FAE];
	_ =	sdelay $0x3  }
0x37: {  	[smem:$0x3FAE] =	sst s10  }
0x38: {  	s10 =	sld [smem:$0x3FAF]  }
0x39: {  	_ = 	snop;
	(pc) =	sbr.ind lr, $3  }
0x3a: {  	_ = 	snop  }
0x3b: {  	_ = 	snop  }
0x3c: {  	p2 =	seq.s32 s10, $0x1;
	s10 =	sld [smem:$0x3FAE]  }
0x3d: {  	_ =	shalt  }
0x3e: {  	_ =	shalt  }
0x3f: {  	_ =	shalt  }
0x40: {  	_ =	shalt  }
0x41: {  	_ =	shalt  }
0x42: {  	_ =	shalt  }
0x43: {  	_ =	shalt  }
0x44: {  	_ =	shalt  }
0x45: {  	_ =	shalt  }
0x46: {  	_ =	shalt  }
0x47: {  	_ =	shalt  }
0x48: {  	_ =	shalt  }
0x49: {  	_ =	shalt  }
0x4a: {  	_ =	shalt  }
0x4b: {  	_ =	shalt  }
0x4c: {  	_ =	shalt  }
0x4d: {  	_ =	shalt  }
0x4e: {  	_ =	shalt  }
0x4f: {  	_ =	shalt  }
0x50: {  	_ =	shalt  }
0x51: {  	_ =	shalt  }
0x52: {  	_ =	shalt  }
0x53: {  	_ =	shalt  }
0x54: {  	_ =	shalt  }
0x55: {  	_ =	shalt  }
0x56: {  	_ =	shalt  }
0x57: {  	_ =	shalt  }
0x58: {  	_ =	shalt  }
0x59: {  	_ =	shalt  }
0x5a: {  	_ =	shalt  }
0x5b: {  	_ =	shalt  }
0x5c: {  	_ =	shalt  }
0x5d: {  	_ =	shalt  }
0x5e: {  	_ =	shalt  }
0x5f: {  	_ =	shalt  }
0x60: {  	_ =	shalt  }
0x61: {  	_ =	shalt  }
0x62: {  	_ =	shalt  }
0x63: {  	_ =	shalt  }
0x64: {  	_ =	shalt  }
0x65: {  	_ =	shalt  }
0x66: {  	_ =	shalt  }
0x67: {  	_ =	shalt  }
0x68: {  	_ =	shalt  }
0x69: {  	_ =	shalt  }
0x6a: {  	_ =	shalt  }
0x6b: {  	_ =	shalt  }
0x6c: {  	_ =	shalt  }
0x6d: {  	_ =	shalt  }
0x6e: {  	_ =	shalt  }
0x6f: {  	_ =	shalt  }
0x70: {  	_ =	shalt  }
0x71: {  	_ =	shalt  }
0x72: {  	_ =	shalt  }
0x73: {  	_ =	shalt  }
0x74: {  	_ =	shalt  }
0x75: {  	_ =	shalt  }
0x76: {  	_ =	shalt  }
0x77: {  	_ =	shalt  }
0x78: {  	_ =	shalt  }
0x79: {  	_ =	shalt  }
0x7a: {  	_ =	shalt  }
0x7b: {  	_ =	shalt  }
0x7c: {  	_ =	shalt  }
0x7d: {  	_ =	shalt  }
0x7e: {  	_ =	shalt  }
0x7f: {  	_ =	shalt  }
0x80: {  	_ =	shalt  }
0x81: {  	_ =	shalt  }
0x82: {  	_ =	shalt  }
0x83: {  	_ =	shalt  }
0x84: {  	_ =	shalt  }
0x85: {  	_ =	shalt  }
0x86: {  	_ =	shalt  }
0x87: {  	_ =	shalt  }
.Lfunc_end0:
.L_simem_size_0:
called_computation_lowered:
.L_overlay_start_0:
0x88: {  	s2 =	sld [smem:$0x3FD9]  }
0x89: {  	s3 =	sld [smem:$0x3FFE];
	_ =	sdelay $0x1  }
0x8a: {  	s1 =	srdreg.scid  }
0x8b: {  	s0 =	sand.u32 $0x1, s1  }
0x8c: {  	s16 =	sshll.u32 s0, $0xA;
	s2 =	sadd.s32 s3, s2  }
0x8d: {  	s2 =	sadd.s32 s2, s16  }
0x8e: {  	[smem:$0x3FBA] =	sst s2  }
0x8f: {  	_ = 	snop  }
0x90: {  	(tm) =	ssettm $0x1  }
0x91: {  	s17 =	sld [smem:$0x3FFB];
	_ =	sdelay $0x3  }
0x92: {  	_ =	strace s17  }
0x93: {  	s2 =	sld [smem:$0x3FFC];
	_ =	sdelay $0x3  }
0x94: {  	_ =	strace s2  }
0x95: {  	s2 =	sld [smem:$0x3FFD];
	_ =	sdelay $0x3  }
0x96: {  	_ =	strace s2  }
0x97: {  	_ =	strace $0x8FFFFFFF  }
0x98: {  	s18 =	sld [smem:$0x3FDB];
	_ =	sdelay $0x1  }
0x99: {  	s19 =	simm.s32 $_scs_section_size  }
0x9a: {  	s4 =	simm.s32 $_size__tile_overlayer_lowered;
	s5 =	simm.s32 $_tile_overlayer_lowered  }
0x9b: {  	s22 =	simm.s32 $0x1BFF;
	s21 =	sshll.u32 s5, $0x1;
	s2 =	sadd.s32 s19, s18  }
0x9c: {  	s6 =	simm.s32 $0x0;
	s20 =	sshll.u32 s4, $0x1;
	s4 =	sadd.s32 s21, s2  }
0x9d: {  	[timem:s6], [sflag:s22] =	dma.local [hbm:s4], s20  }
0x9e: {  	_ =	swait.ge [sflag:s22], s20  }
0x9f: {  	s3 =	ssub.s32 $0x0, s20;
	[sflag:s22] =	ssyncset.done $0x0  }
0xa0: {  	[sflag:s22] =	ssyncadd.s32 s3;
	_ =	sdelay $0x1  }
0xa1: {  	s23 =	simm.s32 $0x1B8B  }
0xa2: {  	_ =	swait.ge [sflag:s23], $0x1  }
0xa3: {  	[sflag:s23] =	ssyncset.done $0x0  }
0xa4: {  	s25 =	simm.s32 $0x1B8E;
	s24 =	sld [smem:$0x3FFE];
	[sflag:s23] =	ssyncadd.s32 $0xFFFFFFFF  }
0xa5: {  	s26 =	simm.s32 $execute0_lowered;
	[smem:$0x3FD2] =	sst s25  }
0xa6: {  	s4 =	sshll.u32 s26, $0x1;
	_ =	strace $0x80000046;
	[dreg:$0x1] =	wrdreg $0xFFFFFFFF  }
0xa7: {  	s28 =	simm.s32 $_size_execute0_lowered;
	s2 =	sadd.s32 s2, s4;
	[dreg:$0x0] =	wrdreg $0x0  }
0xa8: {  	s4 =	sshll.u32 s28, $0x1;
	[dreg:$0x2] =	wrdreg s2  }
0xa9: {  	[dreg:$0x3] =	wrdreg s4  }
0xaa: {  	[dreg:$0x4] =	wrdreg $0xC0  }
0xab: {  	_ =	task [dreg:s6], $0x5FFFF  }
0xac: {  	[dreg:$0x1] =	wrdreg $0xFFFFFFFF  }
0xad: {  	[dreg:$0x0] =	wrdreg $0x60  }
0xae: {  	[dreg:$0x2] =	wrdreg s24  }
0xaf: {  	[dreg:$0x3] =	wrdreg $0x68000  }
0xb0: {  	[dreg:$0x4] =	wrdreg $0x9  }
0xb1: {  	_ =	task.clear_ibuf [dreg:s6], $0x5FFFF;
	_ =	strace $0x90000046  }
0xb2: {  	s29 =	simm.s32 $0x9;
	_ =	strace $0x80000048  }
0xb3: {  	_ =	swait.ge [sflag:s29], $0x1  }
0xb4: {  	[sflag:s29] =	ssyncadd.s32 $0xFFFFFFFF  }
0xb5: {  	_ =	strace $0x90000048  }
0xb6: {  	_ =	sfence  }
0xb7: {  	s30 =	sld [smem:$0x0];
	_ =	sdelay $0x2  }
0xb8: {  	s31 =	sshll.u32 s1, $0xD;
	s1 =	sshrl.u32 s1, $0x2  }
0xb9: {  	s3 =	sand.u32 $0x4000, s31;
	s1 =	sadd.s32 s1, s30  }
0xba: {  	s0 =	sor.u32 s3, s0;
	s1 =	sshll.u32 s1, $0x11  }
0xbb: {  	s0 =	sor.u32 s1, s0  }
0xbc: {  	s0 =	sadd.s32 $0x8F2B, s0  }
0xbd: {  	[sflag:s0] =	ssyncadd.remote.s32 $0x1  }
0xbe: {  	_ =	sfence.sel $0xFFFF  }
0xbf: {  	[dreg:$0x0] =	wrdreg $0xFFFFFFFF;
	(pc) =	sbr.abs _section_cstart, $3  }
0xc0: {  	[dreg:$0x1] =	wrdreg $0xFFFFFFFF  }
0xc1: {  	_ =	task.clear_ibuf [dreg:s6], $0x2FFFF;
	_ =	strace $0x9FFFFFFF  }
0xc2: {  	(tm) =	ssettm $0x7FFFFFFF  }
0xc3: {  	_ =	shalt  }
tec
execute0_lowered:
.L_overlay_start_1:
0x0: {  	(tag) =	ssettag $0x1  }
0x1: {  	s1 =	srdreg.scid  }
0x2: {  	s0 =	stileid.u32;
	s6 =	rddreg [dreg:$0x0]  }
0x3: {  	s2 =	rddreg [dreg:$0x1];
	s3 =	simm.s32 $0x0;
	s14 =	simm.s32 $0x1  }
0x4: {  	s15 =	simm.s32 $0x0;
	s5 =	sand.u32 $0x1, s1;
	s7 =	smul.u32 $0x14000, s0  }
0x5: {  	s26 =	sshll.u32 s0, $0x1;
	[smem:$0x7FF] =	sst s3;
	s28 =	smul.u32 $0x50000, s0  }
0x6: {  	s31 =	sshll.u32 s0, $0x6;
	s1 =	sor.u32 s5, s26;
	s8 =	smul.u32 $0x140000, s5  }
0x7: {  	s5 =	ssub.s32 $0x2, s5;
	s4 =	smul.u32 $0x500, s1;
	s1 =	rddreg [dreg:$0x2]  }
0x8: {  	_ =	strace $0x80000047;
	s10 =	sshrl.u32 s7, $0x3;
	s29 =	sshrl.u32 s5, $0x1  }
0x9: {  	s30 =	sshrl.u32 s28, $0x2;
	s7 =	sadd.s32 s7, s8;
	s10 =	sadd.s32 s10, s6  }
0xa: {  	s12 =	ssub.s32 s5, s29;
	s13 =	sadd.s32 s30, s2;
	s9 =	sadd.s32 s4, s6  }
0xb: {  	s4 =	sadd.s32 $0xE400, s6;
	s7 =	sshrl.u32 s7, $0x3;
	s5 =	sadd.s32 $0xEC00, s10  }
0xc: {  	s10 =	sshrl.u32 s13, $0x3;
	s13 =	simm.s32 $0x80;
	s11 =	sadd.s32 s7, s6  }
0xd: {  	s6 =	sor.u32 $0x1C02, s31;
	s7 =	sadd.s32 $0x4400, s9;
	s9 =	smax.u32 s12, $0x1  }
0xe: {  	s12 =	simm.s32 $0x2800;
	s8 =	sadd.s32 $0x36C00, s11;
	s11 =	simm.s32 $0x2  }
.LBB2_1:
0xf: {  	[spmem:s10], [sflag:s6] =	dma.local [hbm:s5], $0x2800  }
0x10: {  	_ =	swait.ge [sflag:s11], $0x2800  }
0x11: {  	[sflag:s11] =	ssyncset.done $0x0  }
0x12: {  	[sflag:s11] =	ssyncadd.s32 $0xFFFFD800  }
0x13: {  	[tilespmem:s12], [sflag:$0x2] =	stream.linear.gather [hbm4b:s4+s3], $0x4000, $0x38;
	[tilespmem:$0x1A800] =	vst v63  }
0x14: {  	_ =	swait.ge [sflag:s11], $0x4000  }
0x15: {  	[sflag:s11] =	ssyncset.done $0x0  }
0x16: {  	[sflag:s11] =	ssyncadd.s32 $0xFFFFC000  }
0x17: {  	[tilespmem:s3], [sflag:$0x2] =	stream.linear.gather [hbm4b:s7+s3], $0x2800, $0x38;
	[tilespmem:$0x1A800] =	vst v63  }
0x18: {  	_ =	swait.ge [sflag:s11], $0x2800  }
0x19: {  	[sflag:s11] =	ssyncset.done $0x0  }
0x1a: {  	[sflag:s11] =	ssyncadd.s32 $0xFFFFD800  }
0x1b: {  	s16 =	simm.s32 $0x0;
	[bflag:$0x0] =	sbarrier.arrive $0xFFFF  }
.LBB2_2:
0x1c: {  	p0 =	sne.s32 s16, $0x9E00  }
.Ltmp0:
0x1d: {  	_ = 	snop;
	(pc) =	sbr.rel @p0 .LBB2_2-.Ltmp0, $3  }
0x1e: {  	_ =	sdelay $0x1  }
0x1f: {  	s17 =	sshra.s32 s16, $0x2;
	s16 =	sadd.s32 $0x200, s16  }
0x20: {  	[spmem:s2] =	stream.indirect.scatter.add.f32 [tilespmem:s12], [sflag:$0x1], $0x80, s17, s13, $0xb8;
	[tilespmem:$0x1A800] =	vst v63  }
0x21: {  	_ =	swait.ge [sflag:s14], $0x4000  }
0x22: {  	s16 =	simm.s32 $0x4F;
	[sflag:s14] =	ssyncset.done $0x0  }
.LBB2_4:
0x23: {  	p0 =	sne.s32 s16, $0x1;
	s16 =	sadd.s32 $0xFFFFFFFF, s16;
	[sflag:s14] =	ssyncadd.s32 $0xFFFFC000  }
.Ltmp1:
0x24: {  	(pc) =	sbr.rel @p0 .LBB2_4-.Ltmp1, $3  }
0x25: {  	_ =	sdelay $0x1  }
0x26: {  	_ =	swait.ge [sflag:s14], $0x4000  }
0x27: {  	[sflag:s14] =	ssyncset.done $0x0  }
0x28: {  	s15 =	sadd.s32 $0x1, s15  }
0x29: {  	[sflag:s14] =	ssyncadd.s32 $0xFFFFC000;
	p0 =	sne.s32 s15, s9  }
.Ltmp2:
0x2a: {  	[bflag:$0x0] =	sbarrier.arrive $0xFFFF;
	(pc) =	sbr.rel @p0 .LBB2_1-.Ltmp2, $4  }
0x2b: {  	[hbm:s8], [sflag:s6] =	dma.local [spmem:s10], $0x2800  }
0x2c: {  	_ =	swait.ge [sflag:s11], $0x2800  }
0x2d: {  	[sflag:s11] =	ssyncset.done $0x0  }
0x2e: {  	[sflag:s11] =	ssyncadd.s32 $0xFFFFD800  }
0x2f: {  	_ =	sfence.sel $0x180000  }
0x30: {  	[bflag:$0x0] =	sbarrier.arrive $0xFFFF  }
0x31: {  	p0 =	sne.s32 s0, $0x0;
	_ =	strace $0x90000047  }
0x32: {  	s0 =	sadd.s32 @!p0 $0x100000, s1;
	[bflag:$0x2] =	sbarrier.arrive $0xFFFF  }
0x33: {  	[sflag:s0] =	ssyncadd.tile.s32 @!p0 $0x1;
	_ =	shalt  }
.Lfunc_end2:
_tile_overlayer_lowered:
.L_overlay_start_2:
0x34: {  	(tag) =	ssettag $0x2  }
0x35: {  	s0 =	rddreg [dreg:$0x0];
	s2 =	stileid.u32  }
0x36: {  	s1 =	rddreg [dreg:$0x1];
	p0 =	sne.s32 s2, $0x0  }
0x37: {  	s3 =	rddreg [dreg:$0x2];
	[bflag:$0x3] =	sbarrier.arrive $0xFFFF;
	s2 =	simm.s32 @!p0 $0x1C02  }
0x38: {  	[timem:s3], [sflag:s2] =	dma.local @!p0 [hbm:s0], s1  }
0x39: {  	s0 =	simm.s32 @!p0 $0x2  }
0x3a: {  	_ =	swait.ge @!p0 [sflag:s0], s1  }
0x3b: {  	s1 =	ssub.s32 @!p0 $0x0, s1;
	[sflag:s0] =	ssyncset.done @!p0 $0x0  }
0x3c: {  	[sflag:s0] =	ssyncadd.s32 @!p0 s1  }
0x3d: {  	[bflag:$0x3] =	sbarrier.arrive $0xFFFF  }
0x3e: {  	_ =	shalt  }

// kernel: kernel.13.cloned.1.call-start
scs
__scs_entry_jumppad:
0x0: {  	(pc) =	sbr.rel $0x88, $3  }
0x1: {  	(tag) =	ssettag $0x0;
	lr =	simm.s32 $0x1  }
0x2: {  	[smem:$0x3F93] =	sst lr;
	_ =	strace $0xD0000000  }
0x3: {  	_ = 	snop  }
0x4: {  	_ = 	snop  }
0x5: {  	_ = 	snop  }
0x6: {  	_ = 	snop  }
0x7: {  	_ = 	snop  }
__scs_overlays_trampoline_lowered:
0x8: {  	[smem:$0x3FA2] =	sst s0  }
0x9: {  	[smem:$0x3FA3] =	sst s1  }
0xa: {  	[smem:$0x3FA4] =	sst s2  }
0xb: {  	[smem:$0x3FA5] =	sst s3  }
0xc: {  	[smem:$0x3FA6] =	sst s4  }
0xd: {  	[smem:$0x3FA7] =	sst s5  }
0xe: {  	[smem:$0x3FA8] =	sst s6  }
0xf: {  	[smem:$0x3FA9] =	sst s7  }
0x10: {  	[smem:$0x3FAA] =	sst s8  }
0x11: {  	[smem:$0x3FAB] =	sst s9;
	s0 =	simm.s32 @!p0 $0x0  }
0x12: {  	s1 =	sld [smem:$0x3F91];
	s0 =	simm.s32 @p0 $0x1  }
0x13: {  	[smem:$0x3FAC] =	sst s0;
	s0 =	simm.s32 @!p1 $0x0  }
0x14: {  	s2 =	sld [smem:$0x3F90];
	s0 =	simm.s32 @p1 $0x1  }
0x15: {  	[smem:$0x3FAD] =	sst s0;
	s0 =	simm.s32 @!p2 $0x0  }
0x16: {  	s3 =	sld [smem:$0x3FDB];
	s0 =	simm.s32 @p2 $0x1  }
0x17: {  	s4 =	simm.s32 $0x1BF5;
	[smem:$0x3FAF] =	sst s0  }
0x18: {  	s0 =	sld [smem:$0x3F92];
	_ =	swait.ge [sflag:s4], $0x0  }
0x19: {  	s7 =	sld [smem:$0x3F93]  }
0x1a: {  	s8 =	sadd.s32 $0xFFFFE003, lr  }
0x1b: {  	s9 =	sadd.s32 $0xFFFFFEF7, lr;
	s5 =	simm.s32 $0xFFFFFFFF;
	p2 =	slt.u32 s8, $0xFFFFF086  }
0x1c: {  	p1 =	slt.u32 s9, $0xF7A;
	s5 =	simm.s32 @!p2 $0x0  }
0x1d: {  	s5 =	simm.s32 @p1 $0x1;
	p0 =	seq.s32 s7, s2  }
0x1e: {  	s7 =	smul.u32 @!p0 $0xF7A, s2;
	p2 =	seq.s32 @!p0 s5, $0x0  }
0x1f: {  	s9 =	smul.u32 $0xF7A, s1;
	s8 =	simm.s32 @!p0 $0x1BF5;
	p2 =	por !p2, p0  }
0x20: {  	[sflag:s8] =	ssyncset.s32 @!p0 $0xFFFFF086;
	s6 =	sadd.s32 @!p0 s3, s7;
	s7 =	simm.s32 @!p0 $0x108  }
0x21: {  	s3 =	sadd.s32 s3, s9;
	s6 =	sadd.s32 @!p0 $0x88, s6;
	s7 =	simm.s32 @p2 $0x1082  }
0x22: {  	[simem:s7], [sflag:s8] =	dma.local @!p0 [hbm:s6], $0xF7A  }
0x23: {  	s9 =	sor.u32 $0xD0000000, s2;
	s6 =	simm.s32 $0x108;
	_ =	swait.ge @!p0 [sflag:s8], $0x0  }
0x24: {  	s3 =	sadd.s32 $0x88, s3;
	s6 =	simm.s32 @!p1 $0x1082;
	[sflag:s4] =	ssyncset.s32 $0xFFFFF086  }
0x25: {  	[simem:s6], [sflag:s4] =	dma.local [hbm:s3], $0xF7A  }
0x26: {  	[smem:$0x3F93] =	sst s1;
	(tag) =	ssettag s2;
	_ =	strace s9  }
0x27: {  	s1 =	sld [smem:$0x3FA3]  }
0x28: {  	s2 =	sld [smem:$0x3FA4]  }
0x29: {  	s4 =	sld [smem:$0x3FA6]  }
0x2a: {  	p0 =	seq.s32 s5, $0x0;
	s5 =	sld [smem:$0x3FA7]  }
0x2b: {  	s6 =	sld [smem:$0x3FA8]  }
0x2c: {  	s7 =	sld [smem:$0x3FA9]  }
0x2d: {  	s3 =	simm.s32 $0x108;
	s8 =	sld [smem:$0x3FAA]  }
0x2e: {  	s3 =	simm.s32 @!p0 $0x1082;
	s9 =	sld [smem:$0x3FAB]  }
0x2f: {  	lr =	sadd.s32 s0, s3;
	s0 =	sld [smem:$0x3FA2]  }
0x30: {  	s3 =	sld [smem:$0x3FA5]  }
0x31: {  	[smem:$0x3FAE] =	sst s10  }
0x32: {  	s10 =	sld [smem:$0x3FAC];
	_ =	sdelay $0x3  }
0x33: {  	p0 =	seq.s32 s10, $0x1;
	s10 =	sld [smem:$0x3FAE];
	_ =	sdelay $0x3  }
0x34: {  	[smem:$0x3FAE] =	sst s10  }
0x35: {  	s10 =	sld [smem:$0x3FAD];
	_ =	sdelay $0x3  }
0x36: {  	p1 =	seq.s32 s10, $0x1;
	s10 =	sld [smem:$0x3FAE];
	_ =	sdelay $0x3  }
0x37: {  	[smem:$0x3FAE] =	sst s10  }
0x38: {  	s10 =	sld [smem:$0x3FAF]  }
0x39: {  	_ = 	snop;
	(pc) =	sbr.ind lr, $3  }
0x3a: {  	_ = 	snop  }
0x3b: {  	_ = 	snop  }
0x3c: {  	p2 =	seq.s32 s10, $0x1;
	s10 =	sld [smem:$0x3FAE]  }
0x3d: {  	_ =	shalt  }
0x3e: {  	_ =	shalt  }
0x3f: {  	_ =	shalt  }
0x40: {  	_ =	shalt  }
0x41: {  	_ =	shalt  }
0x42: {  	_ =	shalt  }
0x43: {  	_ =	shalt  }
0x44: {  	_ =	shalt  }
0x45: {  	_ =	shalt  }
0x46: {  	_ =	shalt  }
0x47: {  	_ =	shalt  }
0x48: {  	_ =	shalt  }
0x49: {  	_ =	shalt  }
0x4a: {  	_ =	shalt  }
0x4b: {  	_ =	shalt  }
0x4c: {  	_ =	shalt  }
0x4d: {  	_ =	shalt  }
0x4e: {  	_ =	shalt  }
0x4f: {  	_ =	shalt  }
0x50: {  	_ =	shalt  }
0x51: {  	_ =	shalt  }
0x52: {  	_ =	shalt  }
0x53: {  	_ =	shalt  }
0x54: {  	_ =	shalt  }
0x55: {  	_ =	shalt  }
0x56: {  	_ =	shalt  }
0x57: {  	_ =	shalt  }
0x58: {  	_ =	shalt  }
0x59: {  	_ =	shalt  }
0x5a: {  	_ =	shalt  }
0x5b: {  	_ =	shalt  }
0x5c: {  	_ =	shalt  }
0x5d: {  	_ =	shalt  }
0x5e: {  	_ =	shalt  }
0x5f: {  	_ =	shalt  }
0x60: {  	_ =	shalt  }
0x61: {  	_ =	shalt  }
0x62: {  	_ =	shalt  }
0x63: {  	_ =	shalt  }
0x64: {  	_ =	shalt  }
0x65: {  	_ =	shalt  }
0x66: {  	_ =	shalt  }
0x67: {  	_ =	shalt  }
0x68: {  	_ =	shalt  }
0x69: {  	_ =	shalt  }
0x6a: {  	_ =	shalt  }
0x6b: {  	_ =	shalt  }
0x6c: {  	_ =	shalt  }
0x6d: {  	_ =	shalt  }
0x6e: {  	_ =	shalt  }
0x6f: {  	_ =	shalt  }
0x70: {  	_ =	shalt  }
0x71: {  	_ =	shalt  }
0x72: {  	_ =	shalt  }
0x73: {  	_ =	shalt  }
0x74: {  	_ =	shalt  }
0x75: {  	_ =	shalt  }
0x76: {  	_ =	shalt  }
0x77: {  	_ =	shalt  }
0x78: {  	_ =	shalt  }
0x79: {  	_ =	shalt  }
0x7a: {  	_ =	shalt  }
0x7b: {  	_ =	shalt  }
0x7c: {  	_ =	shalt  }
0x7d: {  	_ =	shalt  }
0x7e: {  	_ =	shalt  }
0x7f: {  	_ =	shalt  }
0x80: {  	_ =	shalt  }
0x81: {  	_ =	shalt  }
0x82: {  	_ =	shalt  }
0x83: {  	_ =	shalt  }
0x84: {  	_ =	shalt  }
0x85: {  	_ =	shalt  }
0x86: {  	_ =	shalt  }
0x87: {  	_ =	shalt  }
.Lfunc_end0:
.L_simem_size_0:
called_computation.1_lowered:
.L_overlay_start_0:
0x88: {  	s2 =	sld [smem:$0x3FD9]  }
0x89: {  	s3 =	sld [smem:$0x3FFE];
	_ =	sdelay $0x1  }
0x8a: {  	s1 =	srdreg.scid  }
0x8b: {  	s0 =	sand.u32 $0x1, s1  }
0x8c: {  	s17 =	sshll.u32 s0, $0xA;
	s2 =	sadd.s32 s3, s2  }
0x8d: {  	s2 =	sadd.s32 s2, s17  }
0x8e: {  	[smem:$0x3FBA] =	sst s2  }
0x8f: {  	_ = 	snop  }
0x90: {  	s2 =	sld [smem:$0x3FD0];
	(tm) =	ssettm $0x1  }
0x91: {  	s18 =	sld [smem:$0x3FFB];
	_ =	sdelay $0x3  }
0x92: {  	_ =	strace s18  }
0x93: {  	s3 =	sld [smem:$0x3FFC];
	_ =	sdelay $0x3  }
0x94: {  	_ =	strace s3  }
0x95: {  	s3 =	sld [smem:$0x3FFD];
	_ =	sdelay $0x3  }
0x96: {  	_ =	strace s3  }
0x97: {  	_ =	strace $0x8FFFFFFF  }
0x98: {  	s19 =	sld [smem:$0x3FDB];
	_ =	sdelay $0x1  }
0x99: {  	s4 =	simm.s32 $_scs_section_size  }
0x9a: {  	s5 =	simm.s32 $_size__tile_overlayer_lowered;
	s6 =	simm.s32 $_tile_overlayer_lowered  }
0x9b: {  	s22 =	simm.s32 $0x1BFF;
	s21 =	sshll.u32 s6, $0x1;
	s3 =	sadd.s32 s4, s19  }
0x9c: {  	s7 =	simm.s32 $0x0;
	s20 =	sshll.u32 s5, $0x1;
	s5 =	sadd.s32 s21, s3  }
0x9d: {  	[timem:s7], [sflag:s22] =	dma.local [hbm:s5], s20  }
0x9e: {  	_ =	swait.ge [sflag:s22], s20  }
0x9f: {  	s4 =	ssub.s32 $0x0, s20;
	[sflag:s22] =	ssyncset.done $0x0  }
0xa0: {  	[sflag:s22] =	ssyncadd.s32 s4;
	_ =	sdelay $0x1  }
0xa1: {  	s23 =	simm.s32 $0x1B8B  }
0xa2: {  	_ =	swait.ge [sflag:s23], $0x1  }
0xa3: {  	[sflag:s23] =	ssyncset.done $0x0  }
0xa4: {  	s25 =	simm.s32 $0x1B8E;
	s24 =	sld [smem:$0x3FFE];
	[sflag:s23] =	ssyncadd.s32 $0xFFFFFFFF  }
0xa5: {  	s26 =	simm.s32 $execute0_lowered;
	[smem:$0x3FD2] =	sst s25  }
0xa6: {  	s5 =	sshll.u32 s26, $0x1;
	_ =	strace $0x80000049;
	[dreg:$0x1] =	wrdreg $0xFFFFFFFF  }
0xa7: {  	s28 =	simm.s32 $_size_execute0_lowered;
	s3 =	sadd.s32 s3, s5;
	[dreg:$0x0] =	wrdreg $0x0  }
0xa8: {  	s5 =	sshll.u32 s28, $0x1;
	[dreg:$0x2] =	wrdreg s3  }
0xa9: {  	[dreg:$0x3] =	wrdreg s5  }
0xaa: {  	[dreg:$0x4] =	wrdreg $0xC0  }
0xab: {  	_ =	task [dreg:s7], $0x5FFFF  }
0xac: {  	[dreg:$0x1] =	wrdreg $0xFFFFFFFF  }
0xad: {  	[dreg:$0x0] =	wrdreg $0x60  }
0xae: {  	[dreg:$0x2] =	wrdreg s24  }
0xaf: {  	[dreg:$0x3] =	wrdreg s2  }
0xb0: {  	[dreg:$0x4] =	wrdreg $0xA8000  }
0xb1: {  	[dreg:$0x5] =	wrdreg $0x9  }
0xb2: {  	_ =	task.clear_ibuf [dreg:s7], $0x6FFFF;
	_ =	strace $0x90000049  }
0xb3: {  	s29 =	simm.s32 $0x9;
	_ =	strace $0x8000004B  }
0xb4: {  	_ =	swait.ge [sflag:s29], $0x1  }
0xb5: {  	[sflag:s29] =	ssyncadd.s32 $0xFFFFFFFF  }
0xb6: {  	_ =	strace $0x9000004B  }
0xb7: {  	_ =	sfence  }
0xb8: {  	s30 =	sld [smem:$0x0];
	_ =	sdelay $0x2  }
0xb9: {  	s31 =	sshll.u32 s1, $0xD;
	s1 =	sshrl.u32 s1, $0x2  }
0xba: {  	s3 =	sand.u32 $0x4000, s31;
	s1 =	sadd.s32 s1, s30  }
0xbb: {  	s0 =	sor.u32 s3, s0;
	s1 =	sshll.u32 s1, $0x11  }
0xbc: {  	s0 =	sor.u32 s1, s0  }
0xbd: {  	s0 =	sadd.s32 $0x8F2B, s0  }
0xbe: {  	[sflag:s0] =	ssyncadd.remote.s32 $0x1  }
0xbf: {  	_ =	sfence.sel $0xFFFF  }
0xc0: {  	[dreg:$0x0] =	wrdreg $0xFFFFFFFF;
	(pc) =	sbr.abs _section_cstart, $3  }
0xc1: {  	[dreg:$0x1] =	wrdreg $0xFFFFFFFF  }
0xc2: {  	_ =	task.clear_ibuf [dreg:s7], $0x2FFFF;
	_ =	strace $0x9FFFFFFF  }
0xc3: {  	(tm) =	ssettm $0x7FFFFFFF  }
tec
execute0_lowered:
.L_overlay_start_1:
0x0: {  	(tag) =	ssettag $0x1  }
0x1: {  	s5 =	rddreg [dreg:$0x0]  }
0x2: {  	s9 =	rddreg [dreg:$0x1]  }
0x3: {  	s2 =	rddreg [dreg:$0x2]  }
0x4: {  	s0 =	rddreg [dreg:$0x3]  }
0x5: {  	s1 =	stileid.u32;
	s4 =	srdreg.scid  }
0x6: {  	s3 =	simm.s32 $0x0;
	s16 =	simm.s32 $0x2800;
	s17 =	simm.s32 $0x6800  }
0x7: {  	s18 =	simm.s32 $0x1;
	s19 =	simm.s32 $0x2;
	s20 =	simm.s32 $0x0  }
0x8: {  	s6 =	smul.u32 $0x14000, s1;
	s7 =	sand.u32 $0x1, s4;
	[smem:$0x7FF] =	sst s3  }
0x9: {  	s4 =	sadd.s32 $0x86C00, s5;
	s11 =	sadd.s32 $0x4400, s5;
	s12 =	smul.u32 $0x50000, s1  }
0xa: {  	s29 =	sshll.u32 s1, $0x6;
	s8 =	smul.u32 $0x140000, s7;
	_ =	strace $0x8000004A  }
0xb: {  	s24 =	ssub.s32 $0x2, s7;
	s7 =	sshll.u32 s7, $0x4;
	s10 =	sshrl.u32 s6, $0x3  }
0xc: {  	s25 =	sshrl.u32 s24, $0x1;
	s26 =	sor.u32 s1, s7;
	s28 =	sshrl.u32 s12, $0x2  }
0xd: {  	s6 =	sadd.s32 s6, s8;
	s23 =	sadd.s32 s10, s5;
	s7 =	smul.u32 $0x2800, s26  }
0xe: {  	s14 =	ssub.s32 s24, s25;
	s15 =	sadd.s32 s28, s2;
	s30 =	smul.u32 $0x500, s26  }
0xf: {  	s6 =	sshrl.u32 s6, $0x3;
	s12 =	smax.u32 s14, $0x1;
	s14 =	simm.s32 $0x3  }
0x10: {  	s13 =	sadd.s32 s6, s5;
	s5 =	sadd.s32 $0xEC00, s23;
	s31 =	sshrl.u32 s7, $0x3  }
0x11: {  	s6 =	sor.u32 $0x1C03, s29;
	s7 =	sadd.s32 s9, s30;
	s10 =	sadd.s32 $0x280, s31  }
0x12: {  	s8 =	sadd.s32 s11, s30;
	s9 =	sadd.s32 s9, s10;
	s10 =	sadd.s32 s11, s10  }
0x13: {  	s11 =	sadd.s32 $0xAEC00, s13;
	s13 =	sshrl.u32 s15, $0x3;
	s15 =	simm.s32 $0x80  }
.LBB2_1:
0x14: {  	[spmem:s13], [sflag:s6] =	dma.local [hbm:s5], $0x2800  }
0x15: {  	_ =	swait.ge [sflag:s14], $0x2800  }
0x16: {  	[sflag:s14] =	ssyncset.done $0x0  }
0x17: {  	[sflag:s14] =	ssyncadd.s32 $0xFFFFD800  }
0x18: {  	[bflag:$0x0] =	sbarrier.arrive $0xFFFF  }
0x19: {  	[tilespmem:s3], [sflag:$0x3] =	stream.linear.gather [hbm4b:s7+s3], $0x1400, $0x38;
	[tilespmem:$0x1E800] =	vst v63  }
0x1a: {  	_ =	swait.ge [sflag:s14], $0x1400  }
0x1b: {  	[sflag:s14] =	ssyncset.done $0x0  }
0x1c: {  	s22 =	simm.s32 $0x1400;
	[sflag:s14] =	ssyncadd.s32 $0xFFFFEC00  }
0x1d: {  	[tilespmem:s22], [sflag:$0x3] =	stream.linear.gather [hbm4b:s8+s3], $0x1400, $0x38;
	[tilespmem:$0x1E800] =	vst v63  }
0x1e: {  	_ =	swait.ge [sflag:s14], $0x1400  }
0x1f: {  	[sflag:s14] =	ssyncset.done $0x0  }
0x20: {  	[sflag:s14] =	ssyncadd.s32 $0xFFFFEC00  }
0x21: {  	[tilespmem:s16], [sflag:$0x1] =	stream.indirect.gather [hbm4b:s4+s15], $0x80, s3, s15, $0xb8;
	[tilespmem:$0x1E800] =	vst v63  }
0x22: {  	_ = 	snop  }
0x23: {  	[tilespmem:s17], [sflag:$0x1] =	stream.indirect.gather [hbm4b:s4+s15], $0x80, s15, s15, $0xb8;
	[tilespmem:$0x1E800] =	vst v63  }
0x24: {  	s21 =	sand.u32 $0x10000, s3;
	_ =	swait.ge [sflag:s18], $0x4000  }
0x25: {  	s23 =	sshrl.u32 s21, $0x2;
	[sflag:s18] =	ssyncset.done $0x0  }
0x26: {  	p1 =	por $0x0, $0x0;
	s25 =	sor.u32 $0x2800, s23;
	[sflag:s18] =	ssyncadd.s32 $0xFFFFC000  }
0x27: {  	[spmem:s2] =	stream.indirect.scatter.add.f32 [tilespmem:s25], [sflag:$0x2], $0x80, s22, s15, $0xb8;
	[tilespmem:$0x1E800] =	vst v63  }
0x28: {  	s24 =	simm.s32 $0x1480;
	s26 =	simm.s32 $0x180;
	_ =	swait.ge [sflag:s19], $0x4000  }
0x29: {  	s21 =	simm.s32 $0x100;
	s28 =	simm.s32 @!p1 $0x80;
	[sflag:s19] =	ssyncset.done $0x0  }
0x2a: {  	s23 =	simm.s32 $0x10000;
	s22 =	simm.s32 $0x1;
	[sflag:s19] =	ssyncadd.s32 $0xFFFFC000  }
.LBB2_2:
0x2b: {  	[tilespmem:s25], [sflag:$0x1] =	stream.indirect.gather @!p1 [hbm4b:s4+s28], $0x80, s21, s28, $0xb8;
	[tilespmem:$0x1E800] =	vst v63  }
0x2c: {  	s28 =	smov.u32 s22;
	s21 =	smov.u32 s26  }
0x2d: {  	s25 =	sand.u32 $0x10000, s23;
	s22 =	sadd.s32 $0x1, s22;
	_ =	swait.ge [sflag:s18], $0x4000  }
0x2e: {  	s25 =	sshrl.u32 s25, $0x2;
	p0 =	sne.s32 s22, $0x28;
	[sflag:s18] =	ssyncset.done $0x0  }
.Ltmp0:
0x2f: {  	s25 =	sor.u32 $0x2800, s25;
	[sflag:s18] =	ssyncadd.s32 $0xFFFFC000;
	(pc) =	sbr.rel @p0 .LBB2_2-.Ltmp0, $4  }
0x30: {  	[spmem:s2] =	stream.indirect.scatter.add.f32 [tilespmem:s25], [sflag:$0x2], $0x80, s24, s15, $0xb8;
	[tilespmem:$0x1E800] =	vst v63  }
0x31: {  	s23 =	sadd.s32 $0x10000, s23;
	_ =	swait.ge [sflag:s19], $0x4000  }
0x32: {  	p1 =	sgt.u32 s28, $0x25;
	s24 =	sadd.s32 $0x80, s24;
	[sflag:s19] =	ssyncset.done $0x0  }
0x33: {  	s26 =	sadd.s32 $0x80, s26;
	s28 =	simm.s32 @!p1 $0x80;
	[sflag:s19] =	ssyncadd.s32 $0xFFFFC000  }
0x34: {  	[tilespmem:s25], [sflag:$0x1] =	stream.indirect.gather @!p1 [hbm4b:s4+s28], $0x80, s21, s28, $0xb8;
	[tilespmem:$0x1E800] =	vst v63  }
0x35: {  	s31 =	simm.s32 $0x0  }
0x36: {  	[tilespmem:s31], [sflag:$0x3] =	stream.linear.gather [hbm4b:s9+s31], $0x1400, $0x38;
	[tilespmem:$0x1E800] =	vst v63  }
0x37: {  	_ =	swait.ge [sflag:s14], $0x1400  }
0x38: {  	[sflag:s14] =	ssyncset.done $0x0  }
0x39: {  	s22 =	simm.s32 $0x1400;
	[sflag:s14] =	ssyncadd.s32 $0xFFFFEC00  }
0x3a: {  	[tilespmem:s22], [sflag:$0x3] =	stream.linear.gather [hbm4b:s10+s31], $0x1400, $0x38;
	[tilespmem:$0x1E800] =	vst v63  }
0x3b: {  	_ =	swait.ge [sflag:s14], $0x1400  }
0x3c: {  	[sflag:s14] =	ssyncset.done $0x0  }
0x3d: {  	[sflag:s14] =	ssyncadd.s32 $0xFFFFEC00  }
0x3e: {  	[tilespmem:s16], [sflag:$0x1] =	stream.indirect.gather [hbm4b:s4+s15], $0x80, s31, s15, $0xb8;
	[tilespmem:$0x1E800] =	vst v63  }
0x3f: {  	_ = 	snop  }
0x40: {  	[tilespmem:s17], [sflag:$0x1] =	stream.indirect.gather [hbm4b:s4+s15], $0x80, s15, s15, $0xb8;
	[tilespmem:$0x1E800] =	vst v63  }
0x41: {  	s21 =	sand.u32 $0x10000, s31;
	_ =	swait.ge [sflag:s18], $0x4000  }
0x42: {  	s23 =	sshrl.u32 s21, $0x2;
	[sflag:s18] =	ssyncset.done $0x0  }
0x43: {  	p1 =	por $0x0, $0x0;
	s25 =	sor.u32 $0x2800, s23;
	[sflag:s18] =	ssyncadd.s32 $0xFFFFC000  }
0x44: {  	[spmem:s2] =	stream.indirect.scatter.add.f32 [tilespmem:s25], [sflag:$0x2], $0x80, s22, s15, $0xb8;
	[tilespmem:$0x1E800] =	vst v63  }
0x45: {  	s24 =	simm.s32 $0x1480;
	s26 =	simm.s32 $0x180;
	_ =	swait.ge [sflag:s19], $0x4000  }
0x46: {  	s28 =	simm.s32 @!p1 $0x80;
	s21 =	simm.s32 $0x100;
	[sflag:s19] =	ssyncset.done $0x0  }
0x47: {  	s23 =	simm.s32 $0x10000;
	s22 =	simm.s32 $0x1;
	[sflag:s19] =	ssyncadd.s32 $0xFFFFC000  }
.LBB2_4:
0x48: {  	[tilespmem:s25], [sflag:$0x1] =	stream.indirect.gather @!p1 [hbm4b:s4+s28], $0x80, s21, s28, $0xb8;
	[tilespmem:$0x1E800] =	vst v63  }
0x49: {  	s28 =	smov.u32 s22;
	s21 =	smov.u32 s26  }
0x4a: {  	s25 =	sand.u32 $0x10000, s23;
	s22 =	sadd.s32 $0x1, s22;
	_ =	swait.ge [sflag:s18], $0x4000  }
0x4b: {  	s25 =	sshrl.u32 s25, $0x2;
	p0 =	sne.s32 s22, $0x28;
	[sflag:s18] =	ssyncset.done $0x0  }
.Ltmp1:
0x4c: {  	s25 =	sor.u32 $0x2800, s25;
	[sflag:s18] =	ssyncadd.s32 $0xFFFFC000;
	(pc) =	sbr.rel @p0 .LBB2_4-.Ltmp1, $4  }
0x4d: {  	[spmem:s2] =	stream.indirect.scatter.add.f32 [tilespmem:s25], [sflag:$0x2], $0x80, s24, s15, $0xb8;
	[tilespmem:$0x1E800] =	vst v63  }
0x4e: {  	s23 =	sadd.s32 $0x10000, s23;
	_ =	swait.ge [sflag:s19], $0x4000  }
0x4f: {  	p1 =	sgt.u32 s28, $0x25;
	s24 =	sadd.s32 $0x80, s24;
	[sflag:s19] =	ssyncset.done $0x0  }
0x50: {  	s26 =	sadd.s32 $0x80, s26;
	s28 =	simm.s32 @!p1 $0x80;
	[sflag:s19] =	ssyncadd.s32 $0xFFFFC000  }
0x51: {  	[tilespmem:s25], [sflag:$0x1] =	stream.indirect.gather @!p1 [hbm4b:s4+s28], $0x80, s21, s28, $0xb8;
	[tilespmem:$0x1E800] =	vst v63  }
0x52: {  	s20 =	sadd.s32 $0x1, s20  }
0x53: {  	p0 =	sne.s32 s20, s12  }
.Ltmp2:
0x54: {  	[bflag:$0x0] =	sbarrier.arrive $0xFFFF;
	(pc) =	sbr.rel @p0 .LBB2_1-.Ltmp2, $4  }
0x55: {  	[hbm:s11], [sflag:s6] =	dma.local [spmem:s13], $0x2800  }
0x56: {  	_ =	swait.ge [sflag:s14], $0x2800  }
0x57: {  	[sflag:s14] =	ssyncset.done $0x0  }
0x58: {  	[sflag:s14] =	ssyncadd.s32 $0xFFFFD800  }
0x59: {  	_ =	sfence.sel $0x180000  }
0x5a: {  	[bflag:$0x0] =	sbarrier.arrive $0xFFFF  }
0x5b: {  	p0 =	sne.s32 s1, $0x0;
	_ =	strace $0x9000004A  }
0x5c: {  	s0 =	sadd.s32 @!p0 $0x100000, s0;
	[bflag:$0x2] =	sbarrier.arrive $0xFFFF  }
0x5d: {  	[sflag:s0] =	ssyncadd.tile.s32 @!p0 $0x1;
	_ =	shalt  }
.Lfunc_end2:
_tile_overlayer_lowered:
.L_overlay_start_2:
0x5e: {  	(tag) =	ssettag $0x2  }
0x5f: {  	s0 =	rddreg [dreg:$0x0];
	s2 =	stileid.u32  }
0x60: {  	s1 =	rddreg [dreg:$0x1];
	p0 =	sne.s32 s2, $0x0  }
0x61: {  	s3 =	rddreg [dreg:$0x2];
	[bflag:$0x3] =	sbarrier.arrive $0xFFFF;
	s2 =	simm.s32 @!p0 $0x1C03  }
0x62: {  	[timem:s3], [sflag:s2] =	dma.local @!p0 [hbm:s0], s1  }
0x63: {  	s0 =	simm.s32 @!p0 $0x3  }
0x64: {  	_ =	swait.ge @!p0 [sflag:s0], s1  }
0x65: {  	s1 =	ssub.s32 @!p0 $0x0, s1;
	[sflag:s0] =	ssyncset.done @!p0 $0x0  }
0x66: {  	[sflag:s0] =	ssyncadd.s32 @!p0 s1  }
0x67: {  	[bflag:$0x3] =	sbarrier.arrive $0xFFFF  }
0x68: {  	_ =	shalt  }

// kernel: kernel.16.cloned.1.call-start
scs
__scs_entry_jumppad:
0x0: {  	(pc) =	sbr.rel $0x88, $3  }
0x1: {  	(tag) =	ssettag $0x0;
	lr =	simm.s32 $0x1  }
0x2: {  	[smem:$0x3F93] =	sst lr;
	_ =	strace $0xD0000000  }
0x3: {  	_ = 	snop  }
0x4: {  	_ = 	snop  }
0x5: {  	_ = 	snop  }
0x6: {  	_ = 	snop  }
0x7: {  	_ = 	snop  }
__scs_overlays_trampoline_lowered:
0x8: {  	[smem:$0x3FA2] =	sst s0  }
0x9: {  	[smem:$0x3FA3] =	sst s1  }
0xa: {  	[smem:$0x3FA4] =	sst s2  }
0xb: {  	[smem:$0x3FA5] =	sst s3  }
0xc: {  	[smem:$0x3FA6] =	sst s4  }
0xd: {  	[smem:$0x3FA7] =	sst s5  }
0xe: {  	[smem:$0x3FA8] =	sst s6  }
0xf: {  	[smem:$0x3FA9] =	sst s7  }
0x10: {  	[smem:$0x3FAA] =	sst s8  }
0x11: {  	[smem:$0x3FAB] =	sst s9;
	s0 =	simm.s32 @!p0 $0x0  }
0x12: {  	s1 =	sld [smem:$0x3F91];
	s0 =	simm.s32 @p0 $0x1  }
0x13: {  	[smem:$0x3FAC] =	sst s0;
	s0 =	simm.s32 @!p1 $0x0  }
0x14: {  	s2 =	sld [smem:$0x3F90];
	s0 =	simm.s32 @p1 $0x1  }
0x15: {  	[smem:$0x3FAD] =	sst s0;
	s0 =	simm.s32 @!p2 $0x0  }
0x16: {  	s3 =	sld [smem:$0x3FDB];
	s0 =	simm.s32 @p2 $0x1  }
0x17: {  	s4 =	simm.s32 $0x1BF5;
	[smem:$0x3FAF] =	sst s0  }
0x18: {  	s0 =	sld [smem:$0x3F92];
	_ =	swait.ge [sflag:s4], $0x0  }
0x19: {  	s7 =	sld [smem:$0x3F93]  }
0x1a: {  	s8 =	sadd.s32 $0xFFFFE003, lr  }
0x1b: {  	s9 =	sadd.s32 $0xFFFFFEF7, lr;
	s5 =	simm.s32 $0xFFFFFFFF;
	p2 =	slt.u32 s8, $0xFFFFF086  }
0x1c: {  	p1 =	slt.u32 s9, $0xF7A;
	s5 =	simm.s32 @!p2 $0x0  }
0x1d: {  	s5 =	simm.s32 @p1 $0x1;
	p0 =	seq.s32 s7, s2  }
0x1e: {  	s7 =	smul.u32 @!p0 $0xF7A, s2;
	p2 =	seq.s32 @!p0 s5, $0x0  }
0x1f: {  	s9 =	smul.u32 $0xF7A, s1;
	s8 =	simm.s32 @!p0 $0x1BF5;
	p2 =	por !p2, p0  }
0x20: {  	[sflag:s8] =	ssyncset.s32 @!p0 $0xFFFFF086;
	s6 =	sadd.s32 @!p0 s3, s7;
	s7 =	simm.s32 @!p0 $0x108  }
0x21: {  	s3 =	sadd.s32 s3, s9;
	s6 =	sadd.s32 @!p0 $0x88, s6;
	s7 =	simm.s32 @p2 $0x1082  }
0x22: {  	[simem:s7], [sflag:s8] =	dma.local @!p0 [hbm:s6], $0xF7A  }
0x23: {  	s9 =	sor.u32 $0xD0000000, s2;
	s6 =	simm.s32 $0x108;
	_ =	swait.ge @!p0 [sflag:s8], $0x0  }
0x24: {  	s3 =	sadd.s32 $0x88, s3;
	s6 =	simm.s32 @!p1 $0x1082;
	[sflag:s4] =	ssyncset.s32 $0xFFFFF086  }
0x25: {  	[simem:s6], [sflag:s4] =	dma.local [hbm:s3], $0xF7A  }
0x26: {  	[smem:$0x3F93] =	sst s1;
	(tag) =	ssettag s2;
	_ =	strace s9  }
0x27: {  	s1 =	sld [smem:$0x3FA3]  }
0x28: {  	s2 =	sld [smem:$0x3FA4]  }
0x29: {  	s4 =	sld [smem:$0x3FA6]  }
0x2a: {  	p0 =	seq.s32 s5, $0x0;
	s5 =	sld [smem:$0x3FA7]  }
0x2b: {  	s6 =	sld [smem:$0x3FA8]  }
0x2c: {  	s7 =	sld [smem:$0x3FA9]  }
0x2d: {  	s3 =	simm.s32 $0x108;
	s8 =	sld [smem:$0x3FAA]  }
0x2e: {  	s3 =	simm.s32 @!p0 $0x1082;
	s9 =	sld [smem:$0x3FAB]  }
0x2f: {  	lr =	sadd.s32 s0, s3;
	s0 =	sld [smem:$0x3FA2]  }
0x30: {  	s3 =	sld [smem:$0x3FA5]  }
0x31: {  	[smem:$0x3FAE] =	sst s10  }
0x32: {  	s10 =	sld [smem:$0x3FAC];
	_ =	sdelay $0x3  }
0x33: {  	p0 =	seq.s32 s10, $0x1;
	s10 =	sld [smem:$0x3FAE];
	_ =	sdelay $0x3  }
0x34: {  	[smem:$0x3FAE] =	sst s10  }
0x35: {  	s10 =	sld [smem:$0x3FAD];
	_ =	sdelay $0x3  }
0x36: {  	p1 =	seq.s32 s10, $0x1;
	s10 =	sld [smem:$0x3FAE];
	_ =	sdelay $0x3  }
0x37: {  	[smem:$0x3FAE] =	sst s10  }
0x38: {  	s10 =	sld [smem:$0x3FAF]  }
0x39: {  	_ = 	snop;
	(pc) =	sbr.ind lr, $3  }
0x3a: {  	_ = 	snop  }
0x3b: {  	_ = 	snop  }
0x3c: {  	p2 =	seq.s32 s10, $0x1;
	s10 =	sld [smem:$0x3FAE]  }
0x3d: {  	_ =	shalt  }
0x3e: {  	_ =	shalt  }
0x3f: {  	_ =	shalt  }
0x40: {  	_ =	shalt  }
0x41: {  	_ =	shalt  }
0x42: {  	_ =	shalt  }
0x43: {  	_ =	shalt  }
0x44: {  	_ =	shalt  }
0x45: {  	_ =	shalt  }
0x46: {  	_ =	shalt  }
0x47: {  	_ =	shalt  }
0x48: {  	_ =	shalt  }
0x49: {  	_ =	shalt  }
0x4a: {  	_ =	shalt  }
0x4b: {  	_ =	shalt  }
0x4c: {  	_ =	shalt  }
0x4d: {  	_ =	shalt  }
0x4e: {  	_ =	shalt  }
0x4f: {  	_ =	shalt  }
0x50: {  	_ =	shalt  }
0x51: {  	_ =	shalt  }
0x52: {  	_ =	shalt  }
0x53: {  	_ =	shalt  }
0x54: {  	_ =	shalt  }
0x55: {  	_ =	shalt  }
0x56: {  	_ =	shalt  }
0x57: {  	_ =	shalt  }
0x58: {  	_ =	shalt  }
0x59: {  	_ =	shalt  }
0x5a: {  	_ =	shalt  }
0x5b: {  	_ =	shalt  }
0x5c: {  	_ =	shalt  }
0x5d: {  	_ =	shalt  }
0x5e: {  	_ =	shalt  }
0x5f: {  	_ =	shalt  }
0x60: {  	_ =	shalt  }
0x61: {  	_ =	shalt  }
0x62: {  	_ =	shalt  }
0x63: {  	_ =	shalt  }
0x64: {  	_ =	shalt  }
0x65: {  	_ =	shalt  }
0x66: {  	_ =	shalt  }
0x67: {  	_ =	shalt  }
0x68: {  	_ =	shalt  }
0x69: {  	_ =	shalt  }
0x6a: {  	_ =	shalt  }
0x6b: {  	_ =	shalt  }
0x6c: {  	_ =	shalt  }
0x6d: {  	_ =	shalt  }
0x6e: {  	_ =	shalt  }
0x6f: {  	_ =	shalt  }
0x70: {  	_ =	shalt  }
0x71: {  	_ =	shalt  }
0x72: {  	_ =	shalt  }
0x73: {  	_ =	shalt  }
0x74: {  	_ =	shalt  }
0x75: {  	_ =	shalt  }
0x76: {  	_ =	shalt  }
0x77: {  	_ =	shalt  }
0x78: {  	_ =	shalt  }
0x79: {  	_ =	shalt  }
0x7a: {  	_ =	shalt  }
0x7b: {  	_ =	shalt  }
0x7c: {  	_ =	shalt  }
0x7d: {  	_ =	shalt  }
0x7e: {  	_ =	shalt  }
0x7f: {  	_ =	shalt  }
0x80: {  	_ =	shalt  }
0x81: {  	_ =	shalt  }
0x82: {  	_ =	shalt  }
0x83: {  	_ =	shalt  }
0x84: {  	_ =	shalt  }
0x85: {  	_ =	shalt  }
0x86: {  	_ =	shalt  }
0x87: {  	_ =	shalt  }
.Lfunc_end0:
.L_simem_size_0:
called_computation.2_lowered:
.L_overlay_start_0:
0x88: {  	s2 =	sld [smem:$0x3FD9]  }
0x89: {  	s3 =	sld [smem:$0x3FFE];
	_ =	sdelay $0x1  }
0x8a: {  	s1 =	srdreg.scid  }
0x8b: {  	s0 =	sand.u32 $0x1, s1  }
0x8c: {  	s17 =	sshll.u32 s0, $0xA;
	s2 =	sadd.s32 s3, s2  }
0x8d: {  	s2 =	sadd.s32 s2, s17  }
0x8e: {  	[smem:$0x3FBA] =	sst s2  }
0x8f: {  	_ = 	snop  }
0x90: {  	s2 =	sld [smem:$0x3FD0];
	(tm) =	ssettm $0x1  }
0x91: {  	s18 =	sld [smem:$0x3FFB];
	_ =	sdelay $0x3  }
0x92: {  	_ =	strace s18  }
0x93: {  	s3 =	sld [smem:$0x3FFC];
	_ =	sdelay $0x3  }
0x94: {  	_ =	strace s3  }
0x95: {  	s3 =	sld [smem:$0x3FFD];
	_ =	sdelay $0x3  }
0x96: {  	_ =	strace s3  }
0x97: {  	_ =	strace $0x8FFFFFFF  }
0x98: {  	s19 =	sld [smem:$0x3FDB];
	_ =	sdelay $0x1  }
0x99: {  	s4 =	simm.s32 $_scs_section_size  }
0x9a: {  	s5 =	simm.s32 $_size__tile_overlayer_lowered;
	s6 =	simm.s32 $_tile_overlayer_lowered  }
0x9b: {  	s22 =	simm.s32 $0x1BFF;
	s21 =	sshll.u32 s6, $0x1;
	s3 =	sadd.s32 s4, s19  }
0x9c: {  	s7 =	simm.s32 $0x0;
	s20 =	sshll.u32 s5, $0x1;
	s5 =	sadd.s32 s21, s3  }
0x9d: {  	[timem:s7], [sflag:s22] =	dma.local [hbm:s5], s20  }
0x9e: {  	_ =	swait.ge [sflag:s22], s20  }
0x9f: {  	s4 =	ssub.s32 $0x0, s20;
	[sflag:s22] =	ssyncset.done $0x0  }
0xa0: {  	[sflag:s22] =	ssyncadd.s32 s4;
	_ =	sdelay $0x1  }
0xa1: {  	s23 =	simm.s32 $0x1B8B  }
0xa2: {  	_ =	swait.ge [sflag:s23], $0x1  }
0xa3: {  	[sflag:s23] =	ssyncset.done $0x0  }
0xa4: {  	s25 =	simm.s32 $0x1B8E;
	s24 =	sld [smem:$0x3FFE];
	[sflag:s23] =	ssyncadd.s32 $0xFFFFFFFF  }
0xa5: {  	s26 =	simm.s32 $execute0_lowered;
	[smem:$0x3FD2] =	sst s25  }
0xa6: {  	s5 =	sshll.u32 s26, $0x1;
	_ =	strace $0x8000004C;
	[dreg:$0x1] =	wrdreg $0xFFFFFFFF  }
0xa7: {  	s28 =	simm.s32 $_size_execute0_lowered;
	s3 =	sadd.s32 s3, s5;
	[dreg:$0x0] =	wrdreg $0x0  }
0xa8: {  	s5 =	sshll.u32 s28, $0x1;
	[dreg:$0x2] =	wrdreg s3  }
0xa9: {  	[dreg:$0x3] =	wrdreg s5  }
0xaa: {  	[dreg:$0x4] =	wrdreg $0xC0  }
0xab: {  	_ =	task [dreg:s7], $0x5FFFF  }
0xac: {  	[dreg:$0x1] =	wrdreg $0xFFFFFFFF  }
0xad: {  	[dreg:$0x0] =	wrdreg $0x60  }
0xae: {  	[dreg:$0x2] =	wrdreg s24  }
0xaf: {  	[dreg:$0x3] =	wrdreg s2  }
0xb0: {  	[dreg:$0x4] =	wrdreg $0xA8000  }
0xb1: {  	[dreg:$0x5] =	wrdreg $0x9  }
0xb2: {  	_ =	task.clear_ibuf [dreg:s7], $0x6FFFF;
	_ =	strace $0x9000004C  }
0xb3: {  	s29 =	simm.s32 $0x9;
	_ =	strace $0x8000004E  }
0xb4: {  	_ =	swait.ge [sflag:s29], $0x1  }
0xb5: {  	[sflag:s29] =	ssyncadd.s32 $0xFFFFFFFF  }
0xb6: {  	_ =	strace $0x9000004E  }
0xb7: {  	_ =	sfence  }
0xb8: {  	s30 =	sld [smem:$0x0];
	_ =	sdelay $0x2  }
0xb9: {  	s31 =	sshll.u32 s1, $0xD;
	s1 =	sshrl.u32 s1, $0x2  }
0xba: {  	s3 =	sand.u32 $0x4000, s31;
	s1 =	sadd.s32 s1, s30  }
0xbb: {  	s0 =	sor.u32 s3, s0;
	s1 =	sshll.u32 s1, $0x11  }
0xbc: {  	s0 =	sor.u32 s1, s0  }
0xbd: {  	s0 =	sadd.s32 $0x8F2B, s0  }
0xbe: {  	[sflag:s0] =	ssyncadd.remote.s32 $0x1  }
0xbf: {  	_ =	sfence.sel $0xFFFF  }
0xc0: {  	[dreg:$0x0] =	wrdreg $0xFFFFFFFF;
	(pc) =	sbr.abs _section_cstart, $3  }
0xc1: {  	[dreg:$0x1] =	wrdreg $0xFFFFFFFF  }
0xc2: {  	_ =	task.clear_ibuf [dreg:s7], $0x2FFFF;
	_ =	strace $0x9FFFFFFF  }
0xc3: {  	(tm) =	ssettm $0x7FFFFFFF  }
tec
execute0_lowered:
.L_overlay_start_1:
0x0: {  	(tag) =	ssettag $0x1  }
0x1: {  	s5 =	rddreg [dreg:$0x0]  }
0x2: {  	s9 =	rddreg [dreg:$0x1]  }
0x3: {  	s2 =	rddreg [dreg:$0x2]  }
0x4: {  	s0 =	rddreg [dreg:$0x3]  }
0x5: {  	s1 =	stileid.u32;
	s4 =	srdreg.scid  }
0x6: {  	s3 =	simm.s32 $0x0;
	s16 =	simm.s32 $0x2800;
	s17 =	simm.s32 $0x6800  }
0x7: {  	s18 =	simm.s32 $0x1;
	s19 =	simm.s32 $0x2;
	s20 =	simm.s32 $0x0  }
0x8: {  	s6 =	smul.u32 $0x14000, s1;
	s7 =	sand.u32 $0x1, s4;
	[smem:$0x7FF] =	sst s3  }
0x9: {  	s4 =	sadd.s32 $0x86C00, s5;
	s11 =	sadd.s32 $0x4400, s5;
	s12 =	smul.u32 $0x50000, s1  }
0xa: {  	s29 =	sshll.u32 s1, $0x6;
	s8 =	smul.u32 $0x140000, s7;
	_ =	strace $0x8000004D  }
0xb: {  	s24 =	ssub.s32 $0x2, s7;
	s7 =	sshll.u32 s7, $0x4;
	s10 =	sshrl.u32 s6, $0x3  }
0xc: {  	s25 =	sshrl.u32 s24, $0x1;
	s26 =	sor.u32 s1, s7;
	s28 =	sshrl.u32 s12, $0x2  }
0xd: {  	s6 =	sadd.s32 s6, s8;
	s23 =	sadd.s32 s10, s5;
	s7 =	smul.u32 $0x2800, s26  }
0xe: {  	s14 =	ssub.s32 s24, s25;
	s15 =	sadd.s32 s28, s2;
	s30 =	smul.u32 $0x500, s26  }
0xf: {  	s6 =	sshrl.u32 s6, $0x3;
	s12 =	smax.u32 s14, $0x1;
	s14 =	simm.s32 $0x3  }
0x10: {  	s13 =	sadd.s32 s6, s5;
	s5 =	sadd.s32 $0xEC00, s23;
	s31 =	sshrl.u32 s7, $0x3  }
0x11: {  	s6 =	sor.u32 $0x1C03, s29;
	s7 =	sadd.s32 s9, s30;
	s10 =	sadd.s32 $0x280, s31  }
0x12: {  	s8 =	sadd.s32 s11, s30;
	s9 =	sadd.s32 s9, s10;
	s10 =	sadd.s32 s11, s10  }
0x13: {  	s11 =	sadd.s32 $0xAEC00, s13;
	s13 =	sshrl.u32 s15, $0x3;
	s15 =	simm.s32 $0x80  }
.LBB2_1:
0x14: {  	[spmem:s13], [sflag:s6] =	dma.local [hbm:s5], $0x2800  }
0x15: {  	_ =	swait.ge [sflag:s14], $0x2800  }
0x16: {  	[sflag:s14] =	ssyncset.done $0x0  }
0x17: {  	[sflag:s14] =	ssyncadd.s32 $0xFFFFD800  }
0x18: {  	[bflag:$0x0] =	sbarrier.arrive $0xFFFF  }
0x19: {  	[tilespmem:s3], [sflag:$0x3] =	stream.linear.gather [hbm4b:s7+s3], $0x1400, $0x38;
	[tilespmem:$0x1E800] =	vst v63  }
0x1a: {  	_ =	swait.ge [sflag:s14], $0x1400  }
0x1b: {  	[sflag:s14] =	ssyncset.done $0x0  }
0x1c: {  	s22 =	simm.s32 $0x1400;
	[sflag:s14] =	ssyncadd.s32 $0xFFFFEC00  }
0x1d: {  	[tilespmem:s22], [sflag:$0x3] =	stream.linear.gather [hbm4b:s8+s3], $0x1400, $0x38;
	[tilespmem:$0x1E800] =	vst v63  }
0x1e: {  	_ =	swait.ge [sflag:s14], $0x1400  }
0x1f: {  	[sflag:s14] =	ssyncset.done $0x0  }
0x20: {  	[sflag:s14] =	ssyncadd.s32 $0xFFFFEC00  }
0x21: {  	[tilespmem:s16], [sflag:$0x1] =	stream.indirect.gather [hbm4b:s4+s15], $0x80, s3, s15, $0xb8;
	[tilespmem:$0x1E800] =	vst v63  }
0x22: {  	_ = 	snop  }
0x23: {  	[tilespmem:s17], [sflag:$0x1] =	stream.indirect.gather [hbm4b:s4+s15], $0x80, s15, s15, $0xb8;
	[tilespmem:$0x1E800] =	vst v63  }
0x24: {  	s21 =	sand.u32 $0x10000, s3;
	_ =	swait.ge [sflag:s18], $0x4000  }
0x25: {  	s23 =	sshrl.u32 s21, $0x2;
	[sflag:s18] =	ssyncset.done $0x0  }
0x26: {  	p1 =	por $0x0, $0x0;
	s25 =	sor.u32 $0x2800, s23;
	[sflag:s18] =	ssyncadd.s32 $0xFFFFC000  }
0x27: {  	[spmem:s2] =	stream.indirect.scatter.add.f32 [tilespmem:s25], [sflag:$0x2], $0x80, s22, s15, $0xb8;
	[tilespmem:$0x1E800] =	vst v63  }
0x28: {  	s24 =	simm.s32 $0x1480;
	s26 =	simm.s32 $0x180;
	_ =	swait.ge [sflag:s19], $0x4000  }
0x29: {  	s21 =	simm.s32 $0x100;
	s28 =	simm.s32 @!p1 $0x80;
	[sflag:s19] =	ssyncset.done $0x0  }
0x2a: {  	s23 =	simm.s32 $0x10000;
	s22 =	simm.s32 $0x1;
	[sflag:s19] =	ssyncadd.s32 $0xFFFFC000  }
.LBB2_2:
0x2b: {  	[tilespmem:s25], [sflag:$0x1] =	stream.indirect.gather @!p1 [hbm4b:s4+s28], $0x80, s21, s28, $0xb8;
	[tilespmem:$0x1E800] =	vst v63  }
0x2c: {  	s28 =	smov.u32 s22;
	s21 =	smov.u32 s26  }
0x2d: {  	s25 =	sand.u32 $0x10000, s23;
	s22 =	sadd.s32 $0x1, s22;
	_ =	swait.ge [sflag:s18], $0x4000  }
0x2e: {  	s25 =	sshrl.u32 s25, $0x2;
	p0 =	sne.s32 s22, $0x28;
	[sflag:s18] =	ssyncset.done $0x0  }
.Ltmp0:
0x2f: {  	s25 =	sor.u32 $0x2800, s25;
	[sflag:s18] =	ssyncadd.s32 $0xFFFFC000;
	(pc) =	sbr.rel @p0 .LBB2_2-.Ltmp0, $4  }
0x30: {  	[spmem:s2] =	stream.indirect.scatter.add.f32 [tilespmem:s25], [sflag:$0x2], $0x80, s24, s15, $0xb8;
	[tilespmem:$0x1E800] =	vst v63  }
0x31: {  	s23 =	sadd.s32 $0x10000, s23;
	_ =	swait.ge [sflag:s19], $0x4000  }
0x32: {  	p1 =	sgt.u32 s28, $0x25;
	s24 =	sadd.s32 $0x80, s24;
	[sflag:s19] =	ssyncset.done $0x0  }
0x33: {  	s26 =	sadd.s32 $0x80, s26;
	s28 =	simm.s32 @!p1 $0x80;
	[sflag:s19] =	ssyncadd.s32 $0xFFFFC000  }
0x34: {  	[tilespmem:s25], [sflag:$0x1] =	stream.indirect.gather @!p1 [hbm4b:s4+s28], $0x80, s21, s28, $0xb8;
	[tilespmem:$0x1E800] =	vst v63  }
0x35: {  	s31 =	simm.s32 $0x0  }
0x36: {  	[tilespmem:s31], [sflag:$0x3] =	stream.linear.gather [hbm4b:s9+s31], $0x1400, $0x38;
	[tilespmem:$0x1E800] =	vst v63  }
0x37: {  	_ =	swait.ge [sflag:s14], $0x1400  }
0x38: {  	[sflag:s14] =	ssyncset.done $0x0  }
0x39: {  	s22 =	simm.s32 $0x1400;
	[sflag:s14] =	ssyncadd.s32 $0xFFFFEC00  }
0x3a: {  	[tilespmem:s22], [sflag:$0x3] =	stream.linear.gather [hbm4b:s10+s31], $0x1400, $0x38;
	[tilespmem:$0x1E800] =	vst v63  }
0x3b: {  	_ =	swait.ge [sflag:s14], $0x1400  }
0x3c: {  	[sflag:s14] =	ssyncset.done $0x0  }
0x3d: {  	[sflag:s14] =	ssyncadd.s32 $0xFFFFEC00  }
0x3e: {  	[tilespmem:s16], [sflag:$0x1] =	stream.indirect.gather [hbm4b:s4+s15], $0x80, s31, s15, $0xb8;
	[tilespmem:$0x1E800] =	vst v63  }
0x3f: {  	_ = 	snop  }
0x40: {  	[tilespmem:s17], [sflag:$0x1] =	stream.indirect.gather [hbm4b:s4+s15], $0x80, s15, s15, $0xb8;
	[tilespmem:$0x1E800] =	vst v63  }
0x41: {  	s21 =	sand.u32 $0x10000, s31;
	_ =	swait.ge [sflag:s18], $0x4000  }
0x42: {  	s23 =	sshrl.u32 s21, $0x2;
	[sflag:s18] =	ssyncset.done $0x0  }
0x43: {  	p1 =	por $0x0, $0x0;
	s25 =	sor.u32 $0x2800, s23;
	[sflag:s18] =	ssyncadd.s32 $0xFFFFC000  }
0x44: {  	[spmem:s2] =	stream.indirect.scatter.add.f32 [tilespmem:s25], [sflag:$0x2], $0x80, s22, s15, $0xb8;
	[tilespmem:$0x1E800] =	vst v63  }
0x45: {  	s24 =	simm.s32 $0x1480;
	s26 =	simm.s32 $0x180;
	_ =	swait.ge [sflag:s19], $0x4000  }
0x46: {  	s28 =	simm.s32 @!p1 $0x80;
	s21 =	simm.s32 $0x100;
	[sflag:s19] =	ssyncset.done $0x0  }
0x47: {  	s23 =	simm.s32 $0x10000;
	s22 =	simm.s32 $0x1;
	[sflag:s19] =	ssyncadd.s32 $0xFFFFC000  }
.LBB2_4:
0x48: {  	[tilespmem:s25], [sflag:$0x1] =	stream.indirect.gather @!p1 [hbm4b:s4+s28], $0x80, s21, s28, $0xb8;
	[tilespmem:$0x1E800] =	vst v63  }
0x49: {  	s28 =	smov.u32 s22;
	s21 =	smov.u32 s26  }
0x4a: {  	s25 =	sand.u32 $0x10000, s23;
	s22 =	sadd.s32 $0x1, s22;
	_ =	swait.ge [sflag:s18], $0x4000  }
0x4b: {  	s25 =	sshrl.u32 s25, $0x2;
	p0 =	sne.s32 s22, $0x28;
	[sflag:s18] =	ssyncset.done $0x0  }
.Ltmp1:
0x4c: {  	s25 =	sor.u32 $0x2800, s25;
	[sflag:s18] =	ssyncadd.s32 $0xFFFFC000;
	(pc) =	sbr.rel @p0 .LBB2_4-.Ltmp1, $4  }
0x4d: {  	[spmem:s2] =	stream.indirect.scatter.add.f32 [tilespmem:s25], [sflag:$0x2], $0x80, s24, s15, $0xb8;
	[tilespmem:$0x1E800] =	vst v63  }
0x4e: {  	s23 =	sadd.s32 $0x10000, s23;
	_ =	swait.ge [sflag:s19], $0x4000  }
0x4f: {  	p1 =	sgt.u32 s28, $0x25;
	s24 =	sadd.s32 $0x80, s24;
	[sflag:s19] =	ssyncset.done $0x0  }
0x50: {  	s26 =	sadd.s32 $0x80, s26;
	s28 =	simm.s32 @!p1 $0x80;
	[sflag:s19] =	ssyncadd.s32 $0xFFFFC000  }
0x51: {  	[tilespmem:s25], [sflag:$0x1] =	stream.indirect.gather @!p1 [hbm4b:s4+s28], $0x80, s21, s28, $0xb8;
	[tilespmem:$0x1E800] =	vst v63  }
0x52: {  	s20 =	sadd.s32 $0x1, s20  }
0x53: {  	p0 =	sne.s32 s20, s12  }
.Ltmp2:
0x54: {  	[bflag:$0x0] =	sbarrier.arrive $0xFFFF;
	(pc) =	sbr.rel @p0 .LBB2_1-.Ltmp2, $4  }
0x55: {  	[hbm:s11], [sflag:s6] =	dma.local [spmem:s13], $0x2800  }
0x56: {  	_ =	swait.ge [sflag:s14], $0x2800  }
0x57: {  	[sflag:s14] =	ssyncset.done $0x0  }
0x58: {  	[sflag:s14] =	ssyncadd.s32 $0xFFFFD800  }
0x59: {  	_ =	sfence.sel $0x180000  }
0x5a: {  	[bflag:$0x0] =	sbarrier.arrive $0xFFFF  }
0x5b: {  	p0 =	sne.s32 s1, $0x0;
	_ =	strace $0x9000004D  }
0x5c: {  	s0 =	sadd.s32 @!p0 $0x100000, s0;
	[bflag:$0x2] =	sbarrier.arrive $0xFFFF  }
0x5d: {  	[sflag:s0] =	ssyncadd.tile.s32 @!p0 $0x1;
	_ =	shalt  }
.Lfunc_end2:
_tile_overlayer_lowered:
.L_overlay_start_2:
0x5e: {  	(tag) =	ssettag $0x2  }
0x5f: {  	s0 =	rddreg [dreg:$0x0];
	s2 =	stileid.u32  }
0x60: {  	s1 =	rddreg [dreg:$0x1];
	p0 =	sne.s32 s2, $0x0  }
0x61: {  	s3 =	rddreg [dreg:$0x2];
	[bflag:$0x3] =	sbarrier.arrive $0xFFFF;
	s2 =	simm.s32 @!p0 $0x1C03  }
0x62: {  	[timem:s3], [sflag:s2] =	dma.local @!p0 [hbm:s0], s1  }
0x63: {  	s0 =	simm.s32 @!p0 $0x3  }
0x64: {  	_ =	swait.ge @!p0 [sflag:s0], s1  }
0x65: {  	s1 =	ssub.s32 @!p0 $0x0, s1;
	[sflag:s0] =	ssyncset.done @!p0 $0x0  }
0x66: {  	[sflag:s0] =	ssyncadd.s32 @!p0 s1  }
0x67: {  	[bflag:$0x3] =	sbarrier.arrive $0xFFFF  }
0x68: {  	_ =	shalt  }

// kernel: kernel.19.cloned.1.call-start
scs
__scs_entry_jumppad:
0x0: {  	(pc) =	sbr.rel $0x88, $3  }
0x1: {  	(tag) =	ssettag $0x0;
	lr =	simm.s32 $0x1  }
0x2: {  	[smem:$0x3F93] =	sst lr;
	_ =	strace $0xD0000000  }
0x3: {  	_ = 	snop  }
0x4: {  	_ = 	snop  }
0x5: {  	_ = 	snop  }
0x6: {  	_ = 	snop  }
0x7: {  	_ = 	snop  }
__scs_overlays_trampoline_lowered:
0x8: {  	[smem:$0x3FA2] =	sst s0  }
0x9: {  	[smem:$0x3FA3] =	sst s1  }
0xa: {  	[smem:$0x3FA4] =	sst s2  }
0xb: {  	[smem:$0x3FA5] =	sst s3  }
0xc: {  	[smem:$0x3FA6] =	sst s4  }
0xd: {  	[smem:$0x3FA7] =	sst s5  }
0xe: {  	[smem:$0x3FA8] =	sst s6  }
0xf: {  	[smem:$0x3FA9] =	sst s7  }
0x10: {  	[smem:$0x3FAA] =	sst s8  }
0x11: {  	[smem:$0x3FAB] =	sst s9;
	s0 =	simm.s32 @!p0 $0x0  }
0x12: {  	s1 =	sld [smem:$0x3F91];
	s0 =	simm.s32 @p0 $0x1  }
0x13: {  	[smem:$0x3FAC] =	sst s0;
	s0 =	simm.s32 @!p1 $0x0  }
0x14: {  	s2 =	sld [smem:$0x3F90];
	s0 =	simm.s32 @p1 $0x1  }
0x15: {  	[smem:$0x3FAD] =	sst s0;
	s0 =	simm.s32 @!p2 $0x0  }
0x16: {  	s3 =	sld [smem:$0x3FDB];
	s0 =	simm.s32 @p2 $0x1  }
0x17: {  	s4 =	simm.s32 $0x1BF5;
	[smem:$0x3FAF] =	sst s0  }
0x18: {  	s0 =	sld [smem:$0x3F92];
	_ =	swait.ge [sflag:s4], $0x0  }
0x19: {  	s7 =	sld [smem:$0x3F93]  }
0x1a: {  	s8 =	sadd.s32 $0xFFFFE003, lr  }
0x1b: {  	s9 =	sadd.s32 $0xFFFFFEF7, lr;
	s5 =	simm.s32 $0xFFFFFFFF;
	p2 =	slt.u32 s8, $0xFFFFF086  }
0x1c: {  	p1 =	slt.u32 s9, $0xF7A;
	s5 =	simm.s32 @!p2 $0x0  }
0x1d: {  	s5 =	simm.s32 @p1 $0x1;
	p0 =	seq.s32 s7, s2  }
0x1e: {  	s7 =	smul.u32 @!p0 $0xF7A, s2;
	p2 =	seq.s32 @!p0 s5, $0x0  }
0x1f: {  	s9 =	smul.u32 $0xF7A, s1;
	s8 =	simm.s32 @!p0 $0x1BF5;
	p2 =	por !p2, p0  }
0x20: {  	[sflag:s8] =	ssyncset.s32 @!p0 $0xFFFFF086;
	s6 =	sadd.s32 @!p0 s3, s7;
	s7 =	simm.s32 @!p0 $0x108  }
0x21: {  	s3 =	sadd.s32 s3, s9;
	s6 =	sadd.s32 @!p0 $0x88, s6;
	s7 =	simm.s32 @p2 $0x1082  }
0x22: {  	[simem:s7], [sflag:s8] =	dma.local @!p0 [hbm:s6], $0xF7A  }
0x23: {  	s9 =	sor.u32 $0xD0000000, s2;
	s6 =	simm.s32 $0x108;
	_ =	swait.ge @!p0 [sflag:s8], $0x0  }
0x24: {  	s3 =	sadd.s32 $0x88, s3;
	s6 =	simm.s32 @!p1 $0x1082;
	[sflag:s4] =	ssyncset.s32 $0xFFFFF086  }
0x25: {  	[simem:s6], [sflag:s4] =	dma.local [hbm:s3], $0xF7A  }
0x26: {  	[smem:$0x3F93] =	sst s1;
	(tag) =	ssettag s2;
	_ =	strace s9  }
0x27: {  	s1 =	sld [smem:$0x3FA3]  }
0x28: {  	s2 =	sld [smem:$0x3FA4]  }
0x29: {  	s4 =	sld [smem:$0x3FA6]  }
0x2a: {  	p0 =	seq.s32 s5, $0x0;
	s5 =	sld [smem:$0x3FA7]  }
0x2b: {  	s6 =	sld [smem:$0x3FA8]  }
0x2c: {  	s7 =	sld [smem:$0x3FA9]  }
0x2d: {  	s3 =	simm.s32 $0x108;
	s8 =	sld [smem:$0x3FAA]  }
0x2e: {  	s3 =	simm.s32 @!p0 $0x1082;
	s9 =	sld [smem:$0x3FAB]  }
0x2f: {  	lr =	sadd.s32 s0, s3;
	s0 =	sld [smem:$0x3FA2]  }
0x30: {  	s3 =	sld [smem:$0x3FA5]  }
0x31: {  	[smem:$0x3FAE] =	sst s10  }
0x32: {  	s10 =	sld [smem:$0x3FAC];
	_ =	sdelay $0x3  }
0x33: {  	p0 =	seq.s32 s10, $0x1;
	s10 =	sld [smem:$0x3FAE];
	_ =	sdelay $0x3  }
0x34: {  	[smem:$0x3FAE] =	sst s10  }
0x35: {  	s10 =	sld [smem:$0x3FAD];
	_ =	sdelay $0x3  }
0x36: {  	p1 =	seq.s32 s10, $0x1;
	s10 =	sld [smem:$0x3FAE];
	_ =	sdelay $0x3  }
0x37: {  	[smem:$0x3FAE] =	sst s10  }
0x38: {  	s10 =	sld [smem:$0x3FAF]  }
0x39: {  	_ = 	snop;
	(pc) =	sbr.ind lr, $3  }
0x3a: {  	_ = 	snop  }
0x3b: {  	_ = 	snop  }
0x3c: {  	p2 =	seq.s32 s10, $0x1;
	s10 =	sld [smem:$0x3FAE]  }
0x3d: {  	_ =	shalt  }
0x3e: {  	_ =	shalt  }
0x3f: {  	_ =	shalt  }
0x40: {  	_ =	shalt  }
0x41: {  	_ =	shalt  }
0x42: {  	_ =	shalt  }
0x43: {  	_ =	shalt  }
0x44: {  	_ =	shalt  }
0x45: {  	_ =	shalt  }
0x46: {  	_ =	shalt  }
0x47: {  	_ =	shalt  }
0x48: {  	_ =	shalt  }
0x49: {  	_ =	shalt  }
0x4a: {  	_ =	shalt  }
0x4b: {  	_ =	shalt  }
0x4c: {  	_ =	shalt  }
0x4d: {  	_ =	shalt  }
0x4e: {  	_ =	shalt  }
0x4f: {  	_ =	shalt  }
0x50: {  	_ =	shalt  }
0x51: {  	_ =	shalt  }
0x52: {  	_ =	shalt  }
0x53: {  	_ =	shalt  }
0x54: {  	_ =	shalt  }
0x55: {  	_ =	shalt  }
0x56: {  	_ =	shalt  }
0x57: {  	_ =	shalt  }
0x58: {  	_ =	shalt  }
0x59: {  	_ =	shalt  }
0x5a: {  	_ =	shalt  }
0x5b: {  	_ =	shalt  }
0x5c: {  	_ =	shalt  }
0x5d: {  	_ =	shalt  }
0x5e: {  	_ =	shalt  }
0x5f: {  	_ =	shalt  }
0x60: {  	_ =	shalt  }
0x61: {  	_ =	shalt  }
0x62: {  	_ =	shalt  }
0x63: {  	_ =	shalt  }
0x64: {  	_ =	shalt  }
0x65: {  	_ =	shalt  }
0x66: {  	_ =	shalt  }
0x67: {  	_ =	shalt  }
0x68: {  	_ =	shalt  }
0x69: {  	_ =	shalt  }
0x6a: {  	_ =	shalt  }
0x6b: {  	_ =	shalt  }
0x6c: {  	_ =	shalt  }
0x6d: {  	_ =	shalt  }
0x6e: {  	_ =	shalt  }
0x6f: {  	_ =	shalt  }
0x70: {  	_ =	shalt  }
0x71: {  	_ =	shalt  }
0x72: {  	_ =	shalt  }
0x73: {  	_ =	shalt  }
0x74: {  	_ =	shalt  }
0x75: {  	_ =	shalt  }
0x76: {  	_ =	shalt  }
0x77: {  	_ =	shalt  }
0x78: {  	_ =	shalt  }
0x79: {  	_ =	shalt  }
0x7a: {  	_ =	shalt  }
0x7b: {  	_ =	shalt  }
0x7c: {  	_ =	shalt  }
0x7d: {  	_ =	shalt  }
0x7e: {  	_ =	shalt  }
0x7f: {  	_ =	shalt  }
0x80: {  	_ =	shalt  }
0x81: {  	_ =	shalt  }
0x82: {  	_ =	shalt  }
0x83: {  	_ =	shalt  }
0x84: {  	_ =	shalt  }
0x85: {  	_ =	shalt  }
0x86: {  	_ =	shalt  }
0x87: {  	_ =	shalt  }
.Lfunc_end0:
.L_simem_size_0:
called_computation.3_lowered:
.L_overlay_start_0:
0x88: {  	s2 =	sld [smem:$0x3FD9]  }
0x89: {  	s3 =	sld [smem:$0x3FFE];
	_ =	sdelay $0x1  }
0x8a: {  	s1 =	srdreg.scid  }
0x8b: {  	s0 =	sand.u32 $0x1, s1  }
0x8c: {  	s17 =	sshll.u32 s0, $0xA;
	s2 =	sadd.s32 s3, s2  }
0x8d: {  	s2 =	sadd.s32 s2, s17  }
0x8e: {  	[smem:$0x3FBA] =	sst s2  }
0x8f: {  	_ = 	snop  }
0x90: {  	s2 =	sld [smem:$0x3FD0];
	(tm) =	ssettm $0x1  }
0x91: {  	s18 =	sld [smem:$0x3FFB];
	_ =	sdelay $0x3  }
0x92: {  	_ =	strace s18  }
0x93: {  	s3 =	sld [smem:$0x3FFC];
	_ =	sdelay $0x3  }
0x94: {  	_ =	strace s3  }
0x95: {  	s3 =	sld [smem:$0x3FFD];
	_ =	sdelay $0x3  }
0x96: {  	_ =	strace s3  }
0x97: {  	_ =	strace $0x8FFFFFFF  }
0x98: {  	s19 =	sld [smem:$0x3FDB];
	_ =	sdelay $0x1  }
0x99: {  	s4 =	simm.s32 $_scs_section_size  }
0x9a: {  	s5 =	simm.s32 $_size__tile_overlayer_lowered;
	s6 =	simm.s32 $_tile_overlayer_lowered  }
0x9b: {  	s22 =	simm.s32 $0x1BFF;
	s21 =	sshll.u32 s6, $0x1;
	s3 =	sadd.s32 s4, s19  }
0x9c: {  	s7 =	simm.s32 $0x0;
	s20 =	sshll.u32 s5, $0x1;
	s5 =	sadd.s32 s21, s3  }
0x9d: {  	[timem:s7], [sflag:s22] =	dma.local [hbm:s5], s20  }
0x9e: {  	_ =	swait.ge [sflag:s22], s20  }
0x9f: {  	s4 =	ssub.s32 $0x0, s20;
	[sflag:s22] =	ssyncset.done $0x0  }
0xa0: {  	[sflag:s22] =	ssyncadd.s32 s4;
	_ =	sdelay $0x1  }
0xa1: {  	s23 =	simm.s32 $0x1B8B  }
0xa2: {  	_ =	swait.ge [sflag:s23], $0x1  }
0xa3: {  	[sflag:s23] =	ssyncset.done $0x0  }
0xa4: {  	s25 =	simm.s32 $0x1B8E;
	s24 =	sld [smem:$0x3FFE];
	[sflag:s23] =	ssyncadd.s32 $0xFFFFFFFF  }
0xa5: {  	s26 =	simm.s32 $execute0_lowered;
	[smem:$0x3FD2] =	sst s25  }
0xa6: {  	s5 =	sshll.u32 s26, $0x1;
	_ =	strace $0x8000004F;
	[dreg:$0x1] =	wrdreg $0xFFFFFFFF  }
0xa7: {  	s28 =	simm.s32 $_size_execute0_lowered;
	s3 =	sadd.s32 s3, s5;
	[dreg:$0x0] =	wrdreg $0x0  }
0xa8: {  	s5 =	sshll.u32 s28, $0x1;
	[dreg:$0x2] =	wrdreg s3  }
0xa9: {  	[dreg:$0x3] =	wrdreg s5  }
0xaa: {  	[dreg:$0x4] =	wrdreg $0xC0  }
0xab: {  	_ =	task [dreg:s7], $0x5FFFF  }
0xac: {  	[dreg:$0x1] =	wrdreg $0xFFFFFFFF  }
0xad: {  	[dreg:$0x0] =	wrdreg $0x60  }
0xae: {  	[dreg:$0x2] =	wrdreg s24  }
0xaf: {  	[dreg:$0x3] =	wrdreg s2  }
0xb0: {  	[dreg:$0x4] =	wrdreg $0xA8000  }
0xb1: {  	[dreg:$0x5] =	wrdreg $0x9  }
0xb2: {  	_ =	task.clear_ibuf [dreg:s7], $0x6FFFF;
	_ =	strace $0x9000004F  }
0xb3: {  	s29 =	simm.s32 $0x9;
	_ =	strace $0x80000051  }
0xb4: {  	_ =	swait.ge [sflag:s29], $0x1  }
0xb5: {  	[sflag:s29] =	ssyncadd.s32 $0xFFFFFFFF  }
0xb6: {  	_ =	strace $0x90000051  }
0xb7: {  	_ =	sfence  }
0xb8: {  	s30 =	sld [smem:$0x0];
	_ =	sdelay $0x2  }
0xb9: {  	s31 =	sshll.u32 s1, $0xD;
	s1 =	sshrl.u32 s1, $0x2  }
0xba: {  	s3 =	sand.u32 $0x4000, s31;
	s1 =	sadd.s32 s1, s30  }
0xbb: {  	s0 =	sor.u32 s3, s0;
	s1 =	sshll.u32 s1, $0x11  }
0xbc: {  	s0 =	sor.u32 s1, s0  }
0xbd: {  	s0 =	sadd.s32 $0x8F2B, s0  }
0xbe: {  	[sflag:s0] =	ssyncadd.remote.s32 $0x1  }
0xbf: {  	_ =	sfence.sel $0xFFFF  }
0xc0: {  	[dreg:$0x0] =	wrdreg $0xFFFFFFFF;
	(pc) =	sbr.abs _section_cstart, $3  }
0xc1: {  	[dreg:$0x1] =	wrdreg $0xFFFFFFFF  }
0xc2: {  	_ =	task.clear_ibuf [dreg:s7], $0x2FFFF;
	_ =	strace $0x9FFFFFFF  }
0xc3: {  	(tm) =	ssettm $0x7FFFFFFF  }
tec
execute0_lowered:
.L_overlay_start_1:
0x0: {  	(tag) =	ssettag $0x1  }
0x1: {  	s5 =	rddreg [dreg:$0x0]  }
0x2: {  	s9 =	rddreg [dreg:$0x1]  }
0x3: {  	s2 =	rddreg [dreg:$0x2]  }
0x4: {  	s0 =	rddreg [dreg:$0x3]  }
0x5: {  	s1 =	stileid.u32;
	s4 =	srdreg.scid  }
0x6: {  	s3 =	simm.s32 $0x0;
	s16 =	simm.s32 $0x2800;
	s17 =	simm.s32 $0x6800  }
0x7: {  	s18 =	simm.s32 $0x1;
	s19 =	simm.s32 $0x2;
	s20 =	simm.s32 $0x0  }
0x8: {  	s6 =	smul.u32 $0x14000, s1;
	s7 =	sand.u32 $0x1, s4;
	[smem:$0x7FF] =	sst s3  }
0x9: {  	s4 =	sadd.s32 $0x86C00, s5;
	s11 =	sadd.s32 $0x4400, s5;
	s12 =	smul.u32 $0x50000, s1  }
0xa: {  	s29 =	sshll.u32 s1, $0x6;
	s8 =	smul.u32 $0x140000, s7;
	_ =	strace $0x80000050  }
0xb: {  	s24 =	ssub.s32 $0x2, s7;
	s7 =	sshll.u32 s7, $0x4;
	s10 =	sshrl.u32 s6, $0x3  }
0xc: {  	s25 =	sshrl.u32 s24, $0x1;
	s26 =	sor.u32 s1, s7;
	s28 =	sshrl.u32 s12, $0x2  }
0xd: {  	s6 =	sadd.s32 s6, s8;
	s23 =	sadd.s32 s10, s5;
	s7 =	smul.u32 $0x2800, s26  }
0xe: {  	s14 =	ssub.s32 s24, s25;
	s15 =	sadd.s32 s28, s2;
	s30 =	smul.u32 $0x500, s26  }
0xf: {  	s6 =	sshrl.u32 s6, $0x3;
	s12 =	smax.u32 s14, $0x1;
	s14 =	simm.s32 $0x3  }
0x10: {  	s13 =	sadd.s32 s6, s5;
	s5 =	sadd.s32 $0xEC00, s23;
	s31 =	sshrl.u32 s7, $0x3  }
0x11: {  	s6 =	sor.u32 $0x1C03, s29;
	s7 =	sadd.s32 s9, s30;
	s10 =	sadd.s32 $0x280, s31  }
0x12: {  	s8 =	sadd.s32 s11, s30;
	s9 =	sadd.s32 s9, s10;
	s10 =	sadd.s32 s11, s10  }
0x13: {  	s11 =	sadd.s32 $0xAEC00, s13;
	s13 =	sshrl.u32 s15, $0x3;
	s15 =	simm.s32 $0x80  }
.LBB2_1:
0x14: {  	[spmem:s13], [sflag:s6] =	dma.local [hbm:s5], $0x2800  }
0x15: {  	_ =	swait.ge [sflag:s14], $0x2800  }
0x16: {  	[sflag:s14] =	ssyncset.done $0x0  }
0x17: {  	[sflag:s14] =	ssyncadd.s32 $0xFFFFD800  }
0x18: {  	[bflag:$0x0] =	sbarrier.arrive $0xFFFF  }
0x19: {  	[tilespmem:s3], [sflag:$0x3] =	stream.linear.gather [hbm4b:s7+s3], $0x1400, $0x38;
	[tilespmem:$0x1E800] =	vst v63  }
0x1a: {  	_ =	swait.ge [sflag:s14], $0x1400  }
0x1b: {  	[sflag:s14] =	ssyncset.done $0x0  }
0x1c: {  	s22 =	simm.s32 $0x1400;
	[sflag:s14] =	ssyncadd.s32 $0xFFFFEC00  }
0x1d: {  	[tilespmem:s22], [sflag:$0x3] =	stream.linear.gather [hbm4b:s8+s3], $0x1400, $0x38;
	[tilespmem:$0x1E800] =	vst v63  }
0x1e: {  	_ =	swait.ge [sflag:s14], $0x1400  }
0x1f: {  	[sflag:s14] =	ssyncset.done $0x0  }
0x20: {  	[sflag:s14] =	ssyncadd.s32 $0xFFFFEC00  }
0x21: {  	[tilespmem:s16], [sflag:$0x1] =	stream.indirect.gather [hbm4b:s4+s15], $0x80, s3, s15, $0xb8;
	[tilespmem:$0x1E800] =	vst v63  }
0x22: {  	_ = 	snop  }
0x23: {  	[tilespmem:s17], [sflag:$0x1] =	stream.indirect.gather [hbm4b:s4+s15], $0x80, s15, s15, $0xb8;
	[tilespmem:$0x1E800] =	vst v63  }
0x24: {  	s21 =	sand.u32 $0x10000, s3;
	_ =	swait.ge [sflag:s18], $0x4000  }
0x25: {  	s23 =	sshrl.u32 s21, $0x2;
	[sflag:s18] =	ssyncset.done $0x0  }
0x26: {  	p1 =	por $0x0, $0x0;
	s25 =	sor.u32 $0x2800, s23;
	[sflag:s18] =	ssyncadd.s32 $0xFFFFC000  }
0x27: {  	[spmem:s2] =	stream.indirect.scatter.add.f32 [tilespmem:s25], [sflag:$0x2], $0x80, s22, s15, $0xb8;
	[tilespmem:$0x1E800] =	vst v63  }
0x28: {  	s24 =	simm.s32 $0x1480;
	s26 =	simm.s32 $0x180;
	_ =	swait.ge [sflag:s19], $0x4000  }
0x29: {  	s21 =	simm.s32 $0x100;
	s28 =	simm.s32 @!p1 $0x80;
	[sflag:s19] =	ssyncset.done $0x0  }
0x2a: {  	s23 =	simm.s32 $0x10000;
	s22 =	simm.s32 $0x1;
	[sflag:s19] =	ssyncadd.s32 $0xFFFFC000  }
.LBB2_2:
0x2b: {  	[tilespmem:s25], [sflag:$0x1] =	stream.indirect.gather @!p1 [hbm4b:s4+s28], $0x80, s21, s28, $0xb8;
	[tilespmem:$0x1E800] =	vst v63  }
0x2c: {  	s28 =	smov.u32 s22;
	s21 =	smov.u32 s26  }
0x2d: {  	s25 =	sand.u32 $0x10000, s23;
	s22 =	sadd.s32 $0x1, s22;
	_ =	swait.ge [sflag:s18], $0x4000  }
0x2e: {  	s25 =	sshrl.u32 s25, $0x2;
	p0 =	sne.s32 s22, $0x28;
	[sflag:s18] =	ssyncset.done $0x0  }
.Ltmp0:
0x2f: {  	s25 =	sor.u32 $0x2800, s25;
	[sflag:s18] =	ssyncadd.s32 $0xFFFFC000;
	(pc) =	sbr.rel @p0 .LBB2_2-.Ltmp0, $4  }
0x30: {  	[spmem:s2] =	stream.indirect.scatter.add.f32 [tilespmem:s25], [sflag:$0x2], $0x80, s24, s15, $0xb8;
	[tilespmem:$0x1E800] =	vst v63  }
0x31: {  	s23 =	sadd.s32 $0x10000, s23;
	_ =	swait.ge [sflag:s19], $0x4000  }
0x32: {  	p1 =	sgt.u32 s28, $0x25;
	s24 =	sadd.s32 $0x80, s24;
	[sflag:s19] =	ssyncset.done $0x0  }
0x33: {  	s26 =	sadd.s32 $0x80, s26;
	s28 =	simm.s32 @!p1 $0x80;
	[sflag:s19] =	ssyncadd.s32 $0xFFFFC000  }
0x34: {  	[tilespmem:s25], [sflag:$0x1] =	stream.indirect.gather @!p1 [hbm4b:s4+s28], $0x80, s21, s28, $0xb8;
	[tilespmem:$0x1E800] =	vst v63  }
0x35: {  	s31 =	simm.s32 $0x0  }
0x36: {  	[tilespmem:s31], [sflag:$0x3] =	stream.linear.gather [hbm4b:s9+s31], $0x1400, $0x38;
	[tilespmem:$0x1E800] =	vst v63  }
0x37: {  	_ =	swait.ge [sflag:s14], $0x1400  }
0x38: {  	[sflag:s14] =	ssyncset.done $0x0  }
0x39: {  	s22 =	simm.s32 $0x1400;
	[sflag:s14] =	ssyncadd.s32 $0xFFFFEC00  }
0x3a: {  	[tilespmem:s22], [sflag:$0x3] =	stream.linear.gather [hbm4b:s10+s31], $0x1400, $0x38;
	[tilespmem:$0x1E800] =	vst v63  }
0x3b: {  	_ =	swait.ge [sflag:s14], $0x1400  }
0x3c: {  	[sflag:s14] =	ssyncset.done $0x0  }
0x3d: {  	[sflag:s14] =	ssyncadd.s32 $0xFFFFEC00  }
0x3e: {  	[tilespmem:s16], [sflag:$0x1] =	stream.indirect.gather [hbm4b:s4+s15], $0x80, s31, s15, $0xb8;
	[tilespmem:$0x1E800] =	vst v63  }
0x3f: {  	_ = 	snop  }
0x40: {  	[tilespmem:s17], [sflag:$0x1] =	stream.indirect.gather [hbm4b:s4+s15], $0x80, s15, s15, $0xb8;
	[tilespmem:$0x1E800] =	vst v63  }
0x41: {  	s21 =	sand.u32 $0x10000, s31;
	_ =	swait.ge [sflag:s18], $0x4000  }
0x42: {  	s23 =	sshrl.u32 s21, $0x2;
	[sflag:s18] =	ssyncset.done $0x0  }
0x43: {  	p1 =	por $0x0, $0x0;
	s25 =	sor.u32 $0x2800, s23;
	[sflag:s18] =	ssyncadd.s32 $0xFFFFC000  }
0x44: {  	[spmem:s2] =	stream.indirect.scatter.add.f32 [tilespmem:s25], [sflag:$0x2], $0x80, s22, s15, $0xb8;
	[tilespmem:$0x1E800] =	vst v63  }
0x45: {  	s24 =	simm.s32 $0x1480;
	s26 =	simm.s32 $0x180;
	_ =	swait.ge [sflag:s19], $0x4000  }
0x46: {  	s28 =	simm.s32 @!p1 $0x80;
	s21 =	simm.s32 $0x100;
	[sflag:s19] =	ssyncset.done $0x0  }
0x47: {  	s23 =	simm.s32 $0x10000;
	s22 =	simm.s32 $0x1;
	[sflag:s19] =	ssyncadd.s32 $0xFFFFC000  }
.LBB2_4:
0x48: {  	[tilespmem:s25], [sflag:$0x1] =	stream.indirect.gather @!p1 [hbm4b:s4+s28], $0x80, s21, s28, $0xb8;
	[tilespmem:$0x1E800] =	vst v63  }
0x49: {  	s28 =	smov.u32 s22;
	s21 =	smov.u32 s26  }
0x4a: {  	s25 =	sand.u32 $0x10000, s23;
	s22 =	sadd.s32 $0x1, s22;
	_ =	swait.ge [sflag:s18], $0x4000  }
0x4b: {  	s25 =	sshrl.u32 s25, $0x2;
	p0 =	sne.s32 s22, $0x28;
	[sflag:s18] =	ssyncset.done $0x0  }
.Ltmp1:
0x4c: {  	s25 =	sor.u32 $0x2800, s25;
	[sflag:s18] =	ssyncadd.s32 $0xFFFFC000;
	(pc) =	sbr.rel @p0 .LBB2_4-.Ltmp1, $4  }
0x4d: {  	[spmem:s2] =	stream.indirect.scatter.add.f32 [tilespmem:s25], [sflag:$0x2], $0x80, s24, s15, $0xb8;
	[tilespmem:$0x1E800] =	vst v63  }
0x4e: {  	s23 =	sadd.s32 $0x10000, s23;
	_ =	swait.ge [sflag:s19], $0x4000  }
0x4f: {  	p1 =	sgt.u32 s28, $0x25;
	s24 =	sadd.s32 $0x80, s24;
	[sflag:s19] =	ssyncset.done $0x0  }
0x50: {  	s26 =	sadd.s32 $0x80, s26;
	s28 =	simm.s32 @!p1 $0x80;
	[sflag:s19] =	ssyncadd.s32 $0xFFFFC000  }
0x51: {  	[tilespmem:s25], [sflag:$0x1] =	stream.indirect.gather @!p1 [hbm4b:s4+s28], $0x80, s21, s28, $0xb8;
	[tilespmem:$0x1E800] =	vst v63  }
0x52: {  	s20 =	sadd.s32 $0x1, s20  }
0x53: {  	p0 =	sne.s32 s20, s12  }
.Ltmp2:
0x54: {  	[bflag:$0x0] =	sbarrier.arrive $0xFFFF;
	(pc) =	sbr.rel @p0 .LBB2_1-.Ltmp2, $4  }
0x55: {  	[hbm:s11], [sflag:s6] =	dma.local [spmem:s13], $0x2800  }
0x56: {  	_ =	swait.ge [sflag:s14], $0x2800  }
0x57: {  	[sflag:s14] =	ssyncset.done $0x0  }
0x58: {  	[sflag:s14] =	ssyncadd.s32 $0xFFFFD800  }
0x59: {  	_ =	sfence.sel $0x180000  }
0x5a: {  	[bflag:$0x0] =	sbarrier.arrive $0xFFFF  }
0x5b: {  	p0 =	sne.s32 s1, $0x0;
	_ =	strace $0x90000050  }
0x5c: {  	s0 =	sadd.s32 @!p0 $0x100000, s0;
	[bflag:$0x2] =	sbarrier.arrive $0xFFFF  }
0x5d: {  	[sflag:s0] =	ssyncadd.tile.s32 @!p0 $0x1;
	_ =	shalt  }
.Lfunc_end2:
_tile_overlayer_lowered:
.L_overlay_start_2:
0x5e: {  	(tag) =	ssettag $0x2  }
0x5f: {  	s0 =	rddreg [dreg:$0x0];
	s2 =	stileid.u32  }
0x60: {  	s1 =	rddreg [dreg:$0x1];
	p0 =	sne.s32 s2, $0x0  }
0x61: {  	s3 =	rddreg [dreg:$0x2];
	[bflag:$0x3] =	sbarrier.arrive $0xFFFF;
	s2 =	simm.s32 @!p0 $0x1C03  }
0x62: {  	[timem:s3], [sflag:s2] =	dma.local @!p0 [hbm:s0], s1  }
0x63: {  	s0 =	simm.s32 @!p0 $0x3  }
0x64: {  	_ =	swait.ge @!p0 [sflag:s0], s1  }
0x65: {  	s1 =	ssub.s32 @!p0 $0x0, s1;
	[sflag:s0] =	ssyncset.done @!p0 $0x0  }
0x66: {  	[sflag:s0] =	ssyncadd.s32 @!p0 s1  }
0x67: {  	[bflag:$0x3] =	sbarrier.arrive $0xFFFF  }
0x68: {  	_ =	shalt  }

</sc_bundles>
